<compile_context>
chip_gen: v7x
topology: tpu7x:2x2x1
jax: 0.10.2.dev20260603
libtpu: 0.0.44.dev20260713+nightly
codegen_flags: <defaults>
</compile_context>

<pallas_src>
import jax
import jax.numpy as jnp
from jax import lax
from jax.experimental import pallas as pl
from jax.experimental.pallas import tpu as pltpu
from jax.experimental.pallas import tpu_sc as plsc

N_N = 10000
E_E = 160000
D = 128
KP = 25
NEG = 0.2

NTILES = 32
EP = 160256
EPT = EP // NTILES
NB = EPT // 16
N_PAD = 10240
DEN_BASE = N_PAD
DEN_ROWS = N_PAD // D
ACC_ROWS = 10496
ROWS_PER_TILE = ACC_ROWS // 16
NPT = N_PAD // NTILES
NGRP = NPT // 16


def _mm_body(x_ref, w2_ref, wr_ref, y_ref, r_ref):
    xb = x_ref[...]
    y_ref[...] = jnp.dot(xb, w2_ref[...], preferred_element_type=jnp.float32)
    r_ref[...] = jnp.dot(xb, wr_ref[...], preferred_element_type=jnp.float32)


def _sc_body(row_h, col_h, px_h, py_h, r1_h, y_h, aw2_h, z_h, out_h,
             row_v, col_v, px_v, py_v, r1_v, aw2_v,
             rb0, rb1, rb2, rb3, msg_v, contrib_v, den_c_v,
             acc_sh, sem):
    i32 = jnp.int32
    cid = lax.axis_index("c")
    sid = lax.axis_index("s")
    wid = sid * i32(2) + cid
    base = pl.multiple_of(wid * i32(EPT), 16)

    pltpu.sync_copy(row_h.at[pl.ds(base, EPT)], row_v)
    pltpu.sync_copy(col_h.at[pl.ds(base, EPT)], col_v)
    pltpu.sync_copy(px_h.at[pl.ds(base, EPT)], px_v)
    pltpu.sync_copy(py_h.at[pl.ds(base, EPT)], py_v)
    pltpu.sync_copy(r1_h, r1_v)
    pltpu.sync_copy(aw2_h, aw2_v)
    pltpu.sync_copy(z_h, acc_sh.at[pl.ds(pl.multiple_of(sid * i32(ROWS_PER_TILE), 16),
                                         ROWS_PER_TILE)])
    plsc.subcore_barrier()

    lane = lax.iota(jnp.int32, 16)

    def batch(i, off):
        off = pl.multiple_of(off, 16)
        row16 = row_v[pl.ds(off, 16)]
        col16 = col_v[pl.ds(off, 16)]
        px16 = px_v[pl.ds(off, 16)]
        py16 = py_v[pl.ds(off, 16)]
        pxs = px16 * 4.0
        pys = py16 * 4.0
        lox = jnp.minimum(jnp.maximum(pxs.astype(jnp.int32), 0), 3)
        loy = jnp.minimum(jnp.maximum(pys.astype(jnp.int32), 0), 3)
        fx = pxs - lox.astype(jnp.float32)
        fy = pys - loy.astype(jnp.float32)
        gb = col16 * i32(KP) + lox + loy * i32(5)
        c0 = pltpu.async_copy(y_h.at[gb], rb0, sem)
        c1 = pltpu.async_copy(y_h.at[gb + i32(1)], rb1, sem)
        c2 = pltpu.async_copy(y_h.at[gb + i32(5)], rb2, sem)
        c3 = pltpu.async_copy(y_h.at[gb + i32(6)], rb3, sem)
        bw0 = (1.0 - fx) * (1.0 - fy)
        bw1 = fx * (1.0 - fy)
        bw2 = (1.0 - fx) * fy
        bw3 = fx * fy
        r1g = plsc.load_gather(r1_v, [row16])
        eidx = base + off + lane
        valid = eidx < i32(E_E)
        c0.wait()
        c1.wait()
        c2.wait()
        c3.wait()
        def edge_msg(i, c):
            el, alpha = c
            sel = lane == el
            b0 = jnp.sum(jnp.where(sel, bw0, 0.0))
            b1 = jnp.sum(jnp.where(sel, bw1, 0.0))
            b2 = jnp.sum(jnp.where(sel, bw2, 0.0))
            b3 = jnp.sum(jnp.where(sel, bw3, 0.0))
            aacc = jnp.zeros((16,), jnp.float32)
            for oc in range(8):
                sl = pl.ds(oc * 16, 16)
                m = (b0 * rb0[el, sl] + b1 * rb1[el, sl]
                     + b2 * rb2[el, sl] + b3 * rb3[el, sl])
                msg_v[el, sl] = m
                aacc = aacc + m * aw2_v[sl]
            return el + i32(1), jnp.where(sel, jnp.sum(aacc), alpha)

        _, alpha = lax.fori_loop(0, 16, edge_msg,
                                 (jnp.int32(0), jnp.zeros((16,), jnp.float32)))
        alpha = alpha + r1g
        alpha = jnp.where(alpha > 0, alpha, NEG * alpha)
        ex = jnp.where(valid, jnp.exp(alpha), 0.0)
        dcol = jnp.bitwise_and(row16, i32(127))

        def edge_scale(i, el):
            sel = lane == el
            exs = jnp.sum(jnp.where(sel, ex, 0.0))
            dce = jnp.sum(jnp.where(sel, dcol, i32(0)), dtype=jnp.int32)
            for oc in range(8):
                sl = pl.ds(oc * 16, 16)
                contrib_v[el, sl] = exs * msg_v[el, sl]
                den_c_v[el, sl] = jnp.where(lane + i32(oc * 16) == dce,
                                            exs, 0.0)
            return el + i32(1)

        lax.fori_loop(0, 16, edge_scale, jnp.int32(0))
        pltpu.sync_copy(contrib_v, acc_sh.at[row16], add=True)
        drow = lax.shift_right_logical(row16, jnp.int32(7)) + i32(DEN_BASE)
        pltpu.sync_copy(den_c_v, acc_sh.at[drow], add=True)
        return off + i32(16)

    lax.fori_loop(0, NB, batch, jnp.int32(0))
    plsc.subcore_barrier()
    r0 = pl.multiple_of(sid * i32(ROWS_PER_TILE), 16)
    pltpu.sync_copy(acc_sh.at[pl.ds(r0, ROWS_PER_TILE)],
                    out_h.at[cid, pl.ds(r0, ROWS_PER_TILE)])


def _sc_fin_body(p_h, r_h, b_h, f_h,
                 den0_v, den1_v, bias_v, n0_v, n1_v, rg_v, og_v):
    i32 = jnp.int32
    cid = lax.axis_index("c")
    sid = lax.axis_index("s")
    wid = sid * i32(2) + cid
    nbase = pl.multiple_of(wid * i32(NPT), 16)
    pltpu.sync_copy(p_h.at[i32(0), pl.ds(i32(DEN_BASE), DEN_ROWS)], den0_v)
    pltpu.sync_copy(p_h.at[i32(1), pl.ds(i32(DEN_BASE), DEN_ROWS)], den1_v)
    pltpu.sync_copy(b_h, bias_v)
    lane = lax.iota(jnp.int32, 16)

    def group(i, nb):
        nb = pl.multiple_of(nb, 16)
        pltpu.sync_copy(p_h.at[i32(0), pl.ds(nb, 16)], n0_v)
        pltpu.sync_copy(p_h.at[i32(1), pl.ds(nb, 16)], n1_v)
        pltpu.sync_copy(r_h.at[pl.ds(nb, 16)], rg_v)
        f = nb + lane
        dr = lax.shift_right_logical(f, jnp.int32(7))
        dc = jnp.bitwise_and(f, i32(127))
        g0 = plsc.load_gather(den0_v, [dr, dc])
        g1 = plsc.load_gather(den1_v, [dr, dc])
        inv = 1.0 / (g0 + g1 + 1e-16)

        def node_fin(i, el):
            iv = jnp.sum(jnp.where(lane == el, inv, 0.0))
            for oc in range(8):
                sl = pl.ds(oc * 16, 16)
                og_v[el, sl] = ((n0_v[el, sl] + n1_v[el, sl]) * iv
                                + rg_v[el, sl] + bias_v[sl])
            return el + i32(1)

        lax.fori_loop(0, 16, node_fin, jnp.int32(0))
        pltpu.sync_copy(og_v, f_h.at[pl.ds(nb, 16)])
        return nb + i32(16)

    lax.fori_loop(0, NGRP, group, nbase)


def _sc_edge_call():
    return pl.kernel(
        _sc_body,
        out_type=jax.ShapeDtypeStruct((2, ACC_ROWS, D), jnp.float32),
        mesh=plsc.VectorSubcoreMesh(core_axis_name="c", subcore_axis_name="s", num_cores=2, num_subcores=16),
        compiler_params=pltpu.CompilerParams(needs_layout_passes=False),
        scratch_types=[
            pltpu.VMEM((EPT,), jnp.int32),
            pltpu.VMEM((EPT,), jnp.int32),
            pltpu.VMEM((EPT,), jnp.float32),
            pltpu.VMEM((EPT,), jnp.float32),
            pltpu.VMEM((N_N,), jnp.float32),
            pltpu.VMEM((D,), jnp.float32),
            pltpu.VMEM((16, D), jnp.float32),
            pltpu.VMEM((16, D), jnp.float32),
            pltpu.VMEM((16, D), jnp.float32),
            pltpu.VMEM((16, D), jnp.float32),
            pltpu.VMEM((16, D), jnp.float32),
            pltpu.VMEM((16, D), jnp.float32),
            pltpu.VMEM((16, D), jnp.float32),
            pltpu.VMEM_SHARED((ACC_ROWS, D), jnp.float32),
            pltpu.SemaphoreType.DMA,
        ],
    )


def _sc_fin_call():
    return pl.kernel(
        _sc_fin_body,
        out_type=jax.ShapeDtypeStruct((N_PAD, D), jnp.float32),
        mesh=plsc.VectorSubcoreMesh(core_axis_name="c", subcore_axis_name="s", num_cores=2, num_subcores=16),
        compiler_params=pltpu.CompilerParams(needs_layout_passes=False),
        scratch_types=[
            pltpu.VMEM((DEN_ROWS, D), jnp.float32),
            pltpu.VMEM((DEN_ROWS, D), jnp.float32),
            pltpu.VMEM((D,), jnp.float32),
            pltpu.VMEM((16, D), jnp.float32),
            pltpu.VMEM((16, D), jnp.float32),
            pltpu.VMEM((16, 256), jnp.float32),
            pltpu.VMEM((16, D), jnp.float32),
        ],
    )


@jax.jit
def kernel(x, edge_index, pseudo, weight, root_weight, att_weight, bias):
    x = x.astype(jnp.float32)
    w2 = weight.transpose(1, 0, 2).reshape(D, KP * D).astype(jnp.float32)
    v1 = (root_weight @ att_weight[:D]).astype(jnp.float32)
    wr = jnp.concatenate(
        [root_weight.astype(jnp.float32), v1[:, None],
         jnp.zeros((D, 127), jnp.float32)], axis=1)

    y, r = pl.pallas_call(
        _mm_body,
        grid=(25,),
        in_specs=[
            pl.BlockSpec((400, D), lambda i: (i, jnp.int32(0))),
            pl.BlockSpec((D, KP * D), lambda i: (jnp.int32(0), jnp.int32(0))),
            pl.BlockSpec((D, 256), lambda i: (jnp.int32(0), jnp.int32(0))),
        ],
        out_specs=[
            pl.BlockSpec((400, KP * D), lambda i: (i, jnp.int32(0))),
            pl.BlockSpec((400, 256), lambda i: (i, jnp.int32(0))),
        ],
        out_shape=[
            jax.ShapeDtypeStruct((N_N, KP * D), jnp.float32),
            jax.ShapeDtypeStruct((N_N, 256), jnp.float32),
        ],
    )(x, w2, wr)

    yf = y.reshape(N_N * KP, D)
    r1 = r[:, D]
    rpad = jnp.pad(r, ((0, N_PAD - N_N), (0, 0)))

    pad = EP - E_E
    row = edge_index[0].astype(jnp.int32)
    col = edge_index[1].astype(jnp.int32)
    zpad_i = jnp.zeros((pad,), jnp.int32)
    zpad_f = jnp.zeros((pad,), jnp.float32)
    row_p = jnp.concatenate([row, zpad_i])
    col_p = jnp.concatenate([col, zpad_i])
    px_p = jnp.concatenate([pseudo[:, 0].astype(jnp.float32), zpad_f])
    py_p = jnp.concatenate([pseudo[:, 1].astype(jnp.float32), zpad_f])
    aw2 = att_weight[D:].astype(jnp.float32)
    zrows = jnp.zeros((ROWS_PER_TILE, D), jnp.float32)

    p = _sc_edge_call()(row_p, col_p, px_p, py_p, r1, yf, aw2, zrows)
    out = _sc_fin_call()(p, rpad, bias.astype(jnp.float32))
    return out[:N_N]

# --- scband reference (transcript-rebuilt; emitter-appended) ---
"""Pipeline reference for scband-att-spline-conv-16149077033176 (READ-ONLY COPY).

The authoritative reference and input builder live on the scoring server;
editing this copy changes nothing except your own understanding.
"""

import jax, jax.numpy as jnp
import numpy as np
jax.config.update('jax_enable_x64', True)

N_NODES = 10000
E_EDGES = 160000
D_IN = 128
D_OUT = 128
KSIZE = [5, 5]
KPROD = 25
NEG_SLOPE = 0.2


def spline_basis_deg1(pseudo):
    # degree-1 open B-spline basis over a 5x5 kernel grid, 2^dim=4 combos
    K = jnp.array(KSIZE, dtype=pseudo.dtype)
    p = pseudo * (K - 1.0)  # open spline: K-1 intervals
    lo = jnp.clip(jnp.floor(p), 0.0, K - 2.0)
    frac = p - lo
    lo_i = lo.astype(jnp.int32)
    offsets = [1, KSIZE[0]]
    bases, widxs = [], []
    for s in range(4):
        bits = [(s >> d) & 1 for d in range(2)]
        bf = jnp.ones((pseudo.shape[0],), dtype=pseudo.dtype)
        wi = jnp.zeros((pseudo.shape[0],), dtype=jnp.int32)
        for d in range(2):
            bf = bf * (frac[:, d] if bits[d] else (1.0 - frac[:, d]))
            wi = wi + (lo_i[:, d] + bits[d]) * offsets[d]
        bases.append(bf)
        widxs.append(wi)
    return jnp.stack(bases, axis=-1), jnp.stack(widxs, axis=-1)  # [E,4], [E,4]


def setup_inputs(seed: int = 0) -> dict:
    key = jax.random.key(seed)
    ks = jax.random.split(key, 8)
    x = jax.random.normal(ks[0], (N_NODES, D_IN), dtype=jnp.float32)
    edge_index = jax.random.randint(ks[1], (2, E_EDGES), 0, N_NODES, dtype=jnp.int64)
    pseudo = jax.random.uniform(ks[2], (E_EDGES, 2), dtype=jnp.float32)
    b = 1.0 / np.sqrt(KPROD * D_IN)
    weight = jax.random.uniform(ks[3], (KPROD, D_IN, D_OUT), jnp.float32, -b, b)
    root_weight = jax.random.uniform(ks[4], (D_IN, D_OUT), jnp.float32, -b, b)
    att_weight = jax.random.uniform(ks[5], (2 * D_OUT,), jnp.float32, -b, b)
    bias = jax.random.uniform(ks[6], (D_OUT,), jnp.float32, -b, b)
    return {'x': x, 'edge_index': edge_index, 'pseudo': pseudo, 'weight': weight,
            'root_weight': root_weight, 'att_weight': att_weight, 'bias': bias}


def reference(x, edge_index, pseudo, weight, root_weight, att_weight, bias):
    row = edge_index[0]  # dst
    col = edge_index[1]  # src
    N = x.shape[0]
    basis, widx = spline_basis_deg1(pseudo)
    # precompute x transformed by every kernel weight matrix: [N, K_prod, out]
    Y = jnp.einsum('ni,kio->nko', x, weight)
    # spline-weighted message per edge: sum_s basis[e,s] * Y[col[e], widx[e,s]]
    msg = jnp.zeros((row.shape[0], D_OUT), dtype=x.dtype)
    for s in range(4):
        msg = msg + basis[:, s:s + 1] * Y[col, widx[:, s]]
    # root transform
    root = x @ root_weight
    # attention coefficients (GAT-style) over incoming edges of each dst node
    cat = jnp.concatenate([root[row], msg], axis=-1)
    alpha = cat @ att_weight
    alpha = jnp.where(alpha > 0, alpha, NEG_SLOPE * alpha)  # leaky relu
    amax = jax.ops.segment_max(alpha, row, num_segments=N)
    amax = jnp.where(jnp.isfinite(amax), amax, 0.0)
    amax = jax.lax.stop_gradient(amax)
    ex = jnp.exp(alpha - amax[row])
    denom = jax.ops.segment_sum(ex, row, num_segments=N)
    a = ex / (denom[row] + 1e-16)
    # attention-weighted aggregation (scatter-add by dst)
    out = jax.ops.segment_sum(a[:, None] * msg, row, num_segments=N)
    out = out + root + bias
    return out

if __name__ == "__main__":
    import jax
    _d = setup_inputs()
    print(jax.jit(kernel)(*tuple(_d.values())))

</pallas_src>

<mosaic_0001>
#map = affine_map<(d0, d1) -> (0, 0, 0)>
#map1 = affine_map<(d0, d1) -> (0, 0)>
#map2 = affine_map<(d0, d1) -> (0)>
module attributes {stable_mosaic.version = 14 : i64} {
  func.func @_sc_fin_body(%arg0: i32, %arg1: i32, %arg2: memref<2x10496x128xf32, #tpu.memory_space<hbm>>, %arg3: memref<10240x256xf32, #tpu.memory_space<hbm>>, %arg4: memref<128xf32, #tpu.memory_space<hbm>>, %arg5: memref<10240x128xf32, #tpu.memory_space<hbm>>, %arg6: memref<80x128xf32, #tpu.memory_space<vmem>>, %arg7: memref<80x128xf32, #tpu.memory_space<vmem>>, %arg8: memref<128xf32, #tpu.memory_space<vmem>>, %arg9: memref<16x128xf32, #tpu.memory_space<vmem>>, %arg10: memref<16x128xf32, #tpu.memory_space<vmem>>, %arg11: memref<16x256xf32, #tpu.memory_space<vmem>>, %arg12: memref<16x128xf32, #tpu.memory_space<vmem>>) attributes {dimension_semantics = [#tpu.dimension_semantics<core_parallel>, #tpu.dimension_semantics<subcore_parallel>], iteration_bounds = array<i64: 2, 16>, scalar_prefetch = 0 : i64, scratch_operands = 7 : i64, tpu.core_type = #tpu.core_type<sc_vector_subcore>, window_params = [{transform_indices = #map}, {transform_indices = #map1}, {transform_indices = #map2}, {transform_indices = #map1}]} {
    %mul3A = arith.constant 2 : i32
    %mul3A_0 = arith.muli %arg1, %mul3A : i32
    %add3A = arith.addi %mul3A_0, %arg0 : i32
    %mul3A_1 = arith.constant 320 : i32
    %mul3A_2 = arith.muli %add3A, %mul3A_1 : i32
    %multiple_of3A = tpu.assume_multiple %mul3A_2, 16 : i32
    %run_scoped3A = arith.constant 0 : i32
    %run_scoped3A_3 = arith.constant 10240 : i32
    "tpu.region"() ({
      %run_scoped3A_11 = tpu.sem_alloc : memref<!tpu.dma_semaphore, #tpu.memory_space<semaphore_mem>>
      %dma_start3A = arith.constant 0 : i32
      %dma_start3A_12 = tpu.memref_slice %arg2[%run_scoped3A, %run_scoped3A_3, %dma_start3A] : memref<2x10496x128xf32, #tpu.memory_space<hbm>> -> memref<1x80x128xf32, #tpu.memory_space<hbm>>
      %dma_start3A_13 = tpu.memref_squeeze %dma_start3A_12 : memref<1x80x128xf32, #tpu.memory_space<hbm>> -> memref<80x128xf32, #tpu.memory_space<hbm>>
      %dma_start3A_14 = arith.constant 0 : i32
      %dma_start3A_15 = tpu.memref_slice %arg2[%run_scoped3A, %run_scoped3A_3, %dma_start3A_14] : memref<2x10496x128xf32, #tpu.memory_space<hbm>> -> memref<1x80x128xf32, #tpu.memory_space<hbm>>
      %dma_start3A_16 = tpu.memref_squeeze %dma_start3A_15 : memref<1x80x128xf32, #tpu.memory_space<hbm>> -> memref<80x128xf32, #tpu.memory_space<hbm>>
      tpu.enqueue_dma source(%dma_start3A_16 : memref<80x128xf32, #tpu.memory_space<hbm>>) target(%arg6 : memref<80x128xf32, #tpu.memory_space<vmem>>) target_semaphore(%run_scoped3A_11 : memref<!tpu.dma_semaphore, #tpu.memory_space<semaphore_mem>>)
      %dma_wait3A = arith.constant 0 : i32
      %dma_wait3A_17 = tpu.memref_slice %arg2[%run_scoped3A, %run_scoped3A_3, %dma_wait3A] : memref<2x10496x128xf32, #tpu.memory_space<hbm>> -> memref<1x80x128xf32, #tpu.memory_space<hbm>>
      %dma_wait3A_18 = tpu.memref_squeeze %dma_wait3A_17 : memref<1x80x128xf32, #tpu.memory_space<hbm>> -> memref<80x128xf32, #tpu.memory_space<hbm>>
      %dma_wait3A_19 = arith.constant 0 : i32
      %dma_wait3A_20 = tpu.memref_slice %arg2[%run_scoped3A, %run_scoped3A_3, %dma_wait3A_19] : memref<2x10496x128xf32, #tpu.memory_space<hbm>> -> memref<1x80x128xf32, #tpu.memory_space<hbm>>
      %dma_wait3A_21 = tpu.memref_squeeze %dma_wait3A_20 : memref<1x80x128xf32, #tpu.memory_space<hbm>> -> memref<80x128xf32, #tpu.memory_space<hbm>>
      tpu.wait_dma2 semaphore(%run_scoped3A_11 : memref<!tpu.dma_semaphore, #tpu.memory_space<semaphore_mem>>) src(%dma_wait3A_21 : memref<80x128xf32, #tpu.memory_space<hbm>>) dst(%arg6 : memref<80x128xf32, #tpu.memory_space<vmem>>)
      tpu.yield
    }) : () -> ()
    %run_scoped3A_4 = arith.constant 1 : i32
    %run_scoped3A_5 = arith.constant 10240 : i32
    "tpu.region"() ({
      %run_scoped3A_11 = tpu.sem_alloc : memref<!tpu.dma_semaphore, #tpu.memory_space<semaphore_mem>>
      %dma_start3A = arith.constant 0 : i32
      %dma_start3A_12 = tpu.memref_slice %arg2[%run_scoped3A_4, %run_scoped3A_5, %dma_start3A] : memref<2x10496x128xf32, #tpu.memory_space<hbm>> -> memref<1x80x128xf32, #tpu.memory_space<hbm>>
      %dma_start3A_13 = tpu.memref_squeeze %dma_start3A_12 : memref<1x80x128xf32, #tpu.memory_space<hbm>> -> memref<80x128xf32, #tpu.memory_space<hbm>>
      %dma_start3A_14 = arith.constant 0 : i32
      %dma_start3A_15 = tpu.memref_slice %arg2[%run_scoped3A_4, %run_scoped3A_5, %dma_start3A_14] : memref<2x10496x128xf32, #tpu.memory_space<hbm>> -> memref<1x80x128xf32, #tpu.memory_space<hbm>>
      %dma_start3A_16 = tpu.memref_squeeze %dma_start3A_15 : memref<1x80x128xf32, #tpu.memory_space<hbm>> -> memref<80x128xf32, #tpu.memory_space<hbm>>
      tpu.enqueue_dma source(%dma_start3A_16 : memref<80x128xf32, #tpu.memory_space<hbm>>) target(%arg7 : memref<80x128xf32, #tpu.memory_space<vmem>>) target_semaphore(%run_scoped3A_11 : memref<!tpu.dma_semaphore, #tpu.memory_space<semaphore_mem>>)
      %dma_wait3A = arith.constant 0 : i32
      %dma_wait3A_17 = tpu.memref_slice %arg2[%run_scoped3A_4, %run_scoped3A_5, %dma_wait3A] : memref<2x10496x128xf32, #tpu.memory_space<hbm>> -> memref<1x80x128xf32, #tpu.memory_space<hbm>>
      %dma_wait3A_18 = tpu.memref_squeeze %dma_wait3A_17 : memref<1x80x128xf32, #tpu.memory_space<hbm>> -> memref<80x128xf32, #tpu.memory_space<hbm>>
      %dma_wait3A_19 = arith.constant 0 : i32
      %dma_wait3A_20 = tpu.memref_slice %arg2[%run_scoped3A_4, %run_scoped3A_5, %dma_wait3A_19] : memref<2x10496x128xf32, #tpu.memory_space<hbm>> -> memref<1x80x128xf32, #tpu.memory_space<hbm>>
      %dma_wait3A_21 = tpu.memref_squeeze %dma_wait3A_20 : memref<1x80x128xf32, #tpu.memory_space<hbm>> -> memref<80x128xf32, #tpu.memory_space<hbm>>
      tpu.wait_dma2 semaphore(%run_scoped3A_11 : memref<!tpu.dma_semaphore, #tpu.memory_space<semaphore_mem>>) src(%dma_wait3A_21 : memref<80x128xf32, #tpu.memory_space<hbm>>) dst(%arg7 : memref<80x128xf32, #tpu.memory_space<vmem>>)
      tpu.yield
    }) : () -> ()
    "tpu.region"() ({
      %run_scoped3A_11 = tpu.sem_alloc : memref<!tpu.dma_semaphore, #tpu.memory_space<semaphore_mem>>
      tpu.enqueue_dma source(%arg4 : memref<128xf32, #tpu.memory_space<hbm>>) target(%arg8 : memref<128xf32, #tpu.memory_space<vmem>>) target_semaphore(%run_scoped3A_11 : memref<!tpu.dma_semaphore, #tpu.memory_space<semaphore_mem>>)
      tpu.wait_dma2 semaphore(%run_scoped3A_11 : memref<!tpu.dma_semaphore, #tpu.memory_space<semaphore_mem>>) src(%arg4 : memref<128xf32, #tpu.memory_space<hbm>>) dst(%arg8 : memref<128xf32, #tpu.memory_space<vmem>>)
      tpu.yield
    }) : () -> ()
    %iota3A = tpu.iota {dimensions = array<i32: 0>} : vector<16xi32>
    %scan3A = arith.constant 0 : i32
    %scan3A_6 = arith.constant 20 : i32
    %scan3A_7 = arith.addi %scan3A, %scan3A_6 : i32
    %scan3A_8 = arith.constant 1 : i32
    %scan3A_9 = scf.for %scan3A_11 = %scan3A to %scan3A_7 step %scan3A_8 iter_args(%scan3A_12 = %multiple_of3A) -> (i32)  : i32 {
      %multiple_of3A_13 = tpu.assume_multiple %scan3A_12, 16 : i32
      %run_scoped3A_14 = arith.constant 0 : i32
      "tpu.region"() ({
        %run_scoped3A_38 = tpu.sem_alloc : memref<!tpu.dma_semaphore, #tpu.memory_space<semaphore_mem>>
        %dma_start3A = arith.constant 0 : i32
        %dma_start3A_39 = tpu.memref_slice %arg2[%run_scoped3A_14, %multiple_of3A_13, %dma_start3A] : memref<2x10496x128xf32, #tpu.memory_space<hbm>> -> memref<1x16x128xf32, #tpu.memory_space<hbm>>
        %dma_start3A_40 = tpu.memref_squeeze %dma_start3A_39 : memref<1x16x128xf32, #tpu.memory_space<hbm>> -> memref<16x128xf32, #tpu.memory_space<hbm>>
        %dma_start3A_41 = arith.constant 0 : i32
        %dma_start3A_42 = tpu.memref_slice %arg2[%run_scoped3A_14, %multiple_of3A_13, %dma_start3A_41] : memref<2x10496x128xf32, #tpu.memory_space<hbm>> -> memref<1x16x128xf32, #tpu.memory_space<hbm>>
        %dma_start3A_43 = tpu.memref_squeeze %dma_start3A_42 : memref<1x16x128xf32, #tpu.memory_space<hbm>> -> memref<16x128xf32, #tpu.memory_space<hbm>>
        tpu.enqueue_dma source(%dma_start3A_43 : memref<16x128xf32, #tpu.memory_space<hbm>>) target(%arg9 : memref<16x128xf32, #tpu.memory_space<vmem>>) target_semaphore(%run_scoped3A_38 : memref<!tpu.dma_semaphore, #tpu.memory_space<semaphore_mem>>)
        %dma_wait3A = arith.constant 0 : i32
        %dma_wait3A_44 = tpu.memref_slice %arg2[%run_scoped3A_14, %multiple_of3A_13, %dma_wait3A] : memref<2x10496x128xf32, #tpu.memory_space<hbm>> -> memref<1x16x128xf32, #tpu.memory_space<hbm>>
        %dma_wait3A_45 = tpu.memref_squeeze %dma_wait3A_44 : memref<1x16x128xf32, #tpu.memory_space<hbm>> -> memref<16x128xf32, #tpu.memory_space<hbm>>
        %dma_wait3A_46 = arith.constant 0 : i32
        %dma_wait3A_47 = tpu.memref_slice %arg2[%run_scoped3A_14, %multiple_of3A_13, %dma_wait3A_46] : memref<2x10496x128xf32, #tpu.memory_space<hbm>> -> memref<1x16x128xf32, #tpu.memory_space<hbm>>
        %dma_wait3A_48 = tpu.memref_squeeze %dma_wait3A_47 : memref<1x16x128xf32, #tpu.memory_space<hbm>> -> memref<16x128xf32, #tpu.memory_space<hbm>>
        tpu.wait_dma2 semaphore(%run_scoped3A_38 : memref<!tpu.dma_semaphore, #tpu.memory_space<semaphore_mem>>) src(%dma_wait3A_48 : memref<16x128xf32, #tpu.memory_space<hbm>>) dst(%arg9 : memref<16x128xf32, #tpu.memory_space<vmem>>)
        tpu.yield
      }) : () -> ()
      %run_scoped3A_15 = arith.constant 1 : i32
      "tpu.region"() ({
        %run_scoped3A_38 = tpu.sem_alloc : memref<!tpu.dma_semaphore, #tpu.memory_space<semaphore_mem>>
        %dma_start3A = arith.constant 0 : i32
        %dma_start3A_39 = tpu.memref_slice %arg2[%run_scoped3A_15, %multiple_of3A_13, %dma_start3A] : memref<2x10496x128xf32, #tpu.memory_space<hbm>> -> memref<1x16x128xf32, #tpu.memory_space<hbm>>
        %dma_start3A_40 = tpu.memref_squeeze %dma_start3A_39 : memref<1x16x128xf32, #tpu.memory_space<hbm>> -> memref<16x128xf32, #tpu.memory_space<hbm>>
        %dma_start3A_41 = arith.constant 0 : i32
        %dma_start3A_42 = tpu.memref_slice %arg2[%run_scoped3A_15, %multiple_of3A_13, %dma_start3A_41] : memref<2x10496x128xf32, #tpu.memory_space<hbm>> -> memref<1x16x128xf32, #tpu.memory_space<hbm>>
        %dma_start3A_43 = tpu.memref_squeeze %dma_start3A_42 : memref<1x16x128xf32, #tpu.memory_space<hbm>> -> memref<16x128xf32, #tpu.memory_space<hbm>>
        tpu.enqueue_dma source(%dma_start3A_43 : memref<16x128xf32, #tpu.memory_space<hbm>>) target(%arg10 : memref<16x128xf32, #tpu.memory_space<vmem>>) target_semaphore(%run_scoped3A_38 : memref<!tpu.dma_semaphore, #tpu.memory_space<semaphore_mem>>)
        %dma_wait3A = arith.constant 0 : i32
        %dma_wait3A_44 = tpu.memref_slice %arg2[%run_scoped3A_15, %multiple_of3A_13, %dma_wait3A] : memref<2x10496x128xf32, #tpu.memory_space<hbm>> -> memref<1x16x128xf32, #tpu.memory_space<hbm>>
        %dma_wait3A_45 = tpu.memref_squeeze %dma_wait3A_44 : memref<1x16x128xf32, #tpu.memory_space<hbm>> -> memref<16x128xf32, #tpu.memory_space<hbm>>
        %dma_wait3A_46 = arith.constant 0 : i32
        %dma_wait3A_47 = tpu.memref_slice %arg2[%run_scoped3A_15, %multiple_of3A_13, %dma_wait3A_46] : memref<2x10496x128xf32, #tpu.memory_space<hbm>> -> memref<1x16x128xf32, #tpu.memory_space<hbm>>
        %dma_wait3A_48 = tpu.memref_squeeze %dma_wait3A_47 : memref<1x16x128xf32, #tpu.memory_space<hbm>> -> memref<16x128xf32, #tpu.memory_space<hbm>>
        tpu.wait_dma2 semaphore(%run_scoped3A_38 : memref<!tpu.dma_semaphore, #tpu.memory_space<semaphore_mem>>) src(%dma_wait3A_48 : memref<16x128xf32, #tpu.memory_space<hbm>>) dst(%arg10 : memref<16x128xf32, #tpu.memory_space<vmem>>)
        tpu.yield
      }) : () -> ()
      "tpu.region"() ({
        %run_scoped3A_38 = tpu.sem_alloc : memref<!tpu.dma_semaphore, #tpu.memory_space<semaphore_mem>>
        %dma_start3A = arith.constant 0 : i32
        %dma_start3A_39 = tpu.memref_slice %arg3[%multiple_of3A_13, %dma_start3A] : memref<10240x256xf32, #tpu.memory_space<hbm>> -> memref<16x256xf32, #tpu.memory_space<hbm>>
        %dma_start3A_40 = arith.constant 0 : i32
        %dma_start3A_41 = tpu.memref_slice %arg3[%multiple_of3A_13, %dma_start3A_40] : memref<10240x256xf32, #tpu.memory_space<hbm>> -> memref<16x256xf32, #tpu.memory_space<hbm>>
        tpu.enqueue_dma source(%dma_start3A_41 : memref<16x256xf32, #tpu.memory_space<hbm>>) target(%arg11 : memref<16x256xf32, #tpu.memory_space<vmem>>) target_semaphore(%run_scoped3A_38 : memref<!tpu.dma_semaphore, #tpu.memory_space<semaphore_mem>>)
        %dma_wait3A = arith.constant 0 : i32
        %dma_wait3A_42 = tpu.memref_slice %arg3[%multiple_of3A_13, %dma_wait3A] : memref<10240x256xf32, #tpu.memory_space<hbm>> -> memref<16x256xf32, #tpu.memory_space<hbm>>
        %dma_wait3A_43 = arith.constant 0 : i32
        %dma_wait3A_44 = tpu.memref_slice %arg3[%multiple_of3A_13, %dma_wait3A_43] : memref<10240x256xf32, #tpu.memory_space<hbm>> -> memref<16x256xf32, #tpu.memory_space<hbm>>
        tpu.wait_dma2 semaphore(%run_scoped3A_38 : memref<!tpu.dma_semaphore, #tpu.memory_space<semaphore_mem>>) src(%dma_wait3A_44 : memref<16x256xf32, #tpu.memory_space<hbm>>) dst(%arg11 : memref<16x256xf32, #tpu.memory_space<vmem>>)
        tpu.yield
      }) : () -> ()
      %add3A_16 = vector.broadcast %multiple_of3A_13 : i32 to vector<16xi32>
      %add3A_17 = arith.addi %add3A_16, %iota3A : vector<16xi32>
      %shift_right_logical3A = arith.constant 7 : i32
      %shift_right_logical3A_18 = vector.broadcast %shift_right_logical3A : i32 to vector<16xi32>
      %shift_right_logical3A_19 = arith.shrui %add3A_17, %shift_right_logical3A_18 : vector<16xi32>
      %and3A = arith.constant 127 : i32
      %and3A_20 = vector.broadcast %and3A : i32 to vector<16xi32>
      %and3A_21 = arith.andi %add3A_17, %and3A_20 : vector<16xi32>
      %gather3A = tpu.vector_load_idx %arg6[%shift_right_logical3A_19, %and3A_21] : memref<80x128xf32, #tpu.memory_space<vmem>>[vector<16xi32>, vector<16xi32>], vector<16xf32>,
      %gather3A_22 = tpu.vector_load_idx %arg7[%shift_right_logical3A_19, %and3A_21] : memref<80x128xf32, #tpu.memory_space<vmem>>[vector<16xi32>, vector<16xi32>], vector<16xf32>,
      %add3A_23 = arith.addf %gather3A, %gather3A_22 : vector<16xf32>
      %add3A_24 = arith.constant 1.000000e-16 : f32
      %add3A_25 = vector.broadcast %add3A_24 : f32 to vector<16xf32>
      %add3A_26 = arith.addf %add3A_23, %add3A_25 : vector<16xf32>
      %div3A = arith.constant 1.000000e+00 : f32
      %div3A_27 = vector.broadcast %div3A : f32 to vector<16xf32>
      %div3A_28 = arith.divf %div3A_27, %add3A_26 : vector<16xf32>
      %scan3A_29 = arith.constant 0 : i32
      %scan3A_30 = arith.constant 0 : i32
      %scan3A_31 = arith.constant 16 : i32
      %scan3A_32 = arith.addi %scan3A_30, %scan3A_31 : i32
      %scan3A_33 = arith.constant 1 : i32
      %scan3A_34 = scf.for %scan3A_38 = %scan3A_30 to %scan3A_32 step %scan3A_33 iter_args(%scan3A_39 = %scan3A_29) -> (i32)  : i32 {
        %eq3A = vector.broadcast %scan3A_39 : i32 to vector<16xi32>
        %eq3A_40 = arith.cmpi eq, %iota3A, %eq3A : vector<16xi32>
        %jit3A = arith.constant 0.000000e+00 : f64
        %convert_element_type3A = arith.truncf %jit3A : f64 to f32
        %broadcast_in_dim3A = vector.broadcast %convert_element_type3A : f32 to vector<16xf32>
        %select_n3A = arith.select %eq3A_40, %div3A_28, %broadcast_in_dim3A : vector<16xi1>, vector<16xf32>
        %reduce_sum3A = arith.constant true
        %reduce_sum3A_41 = vector.broadcast %reduce_sum3A : i1 to vector<16xi1>
        %reduce_sum3A_42 = tpu.scan <sum>, %select_n3A masked %reduce_sum3A_41 : vector<16xf32>, vector<16xi1> -> vector<16xf32>
        %reduce_sum3A_43 = vector.extract %reduce_sum3A_42[15] : f32 from vector<16xf32>
        %get3A = arith.index_cast %scan3A_39 : i32 to index
        %get3A_44 = arith.constant 0 : index
        %get3A_45 = tpu.vector_load %arg9[%get3A, %get3A_44] {strides = array<i32>} : memref<16x128xf32, #tpu.memory_space<vmem>>, vector<16xf32>,
        %get3A_46 = arith.index_cast %scan3A_39 : i32 to index
        %get3A_47 = arith.constant 0 : index
        %get3A_48 = tpu.vector_load %arg10[%get3A_46, %get3A_47] {strides = array<i32>} : memref<16x128xf32, #tpu.memory_space<vmem>>, vector<16xf32>,
        %add3A_49 = arith.addf %get3A_45, %get3A_48 : vector<16xf32>
        %mul3A_50 = vector.broadcast %reduce_sum3A_43 : f32 to vector<16xf32>
        %mul3A_51 = arith.mulf %add3A_49, %mul3A_50 : vector<16xf32>
        %get3A_52 = arith.index_cast %scan3A_39 : i32 to index
        %get3A_53 = arith.constant 0 : index
        %get3A_54 = tpu.vector_load %arg11[%get3A_52, %get3A_53] {strides = array<i32>} : memref<16x256xf32, #tpu.memory_space<vmem>>, vector<16xf32>,
        %add3A_55 = arith.addf %mul3A_51, %get3A_54 : vector<16xf32>
        %get3A_56 = arith.constant 0 : index
        %get3A_57 = tpu.vector_load %arg8[%get3A_56] {strides = array<i32>} : memref<128xf32, #tpu.memory_space<vmem>>, vector<16xf32>,
        %add3A_58 = arith.addf %add3A_55, %get3A_57 : vector<16xf32>
        %swap3A = arith.index_cast %scan3A_39 : i32 to index
        %swap3A_59 = arith.constant 0 : index
        %swap3A_60 = tpu.vector_load %arg12[%swap3A, %swap3A_59] {strides = array<i32>} : memref<16x128xf32, #tpu.memory_space<vmem>>, vector<16xf32>,
        tpu.vector_store %arg12[%swap3A, %swap3A_59], %add3A_58 {strides = array<i32>} : memref<16x128xf32, #tpu.memory_space<vmem>>, vector<16xf32>,
        %get3A_61 = arith.index_cast %scan3A_39 : i32 to index
        %get3A_62 = arith.constant 16 : index
        %get3A_63 = tpu.vector_load %arg9[%get3A_61, %get3A_62] {strides = array<i32>} : memref<16x128xf32, #tpu.memory_space<vmem>>, vector<16xf32>,
        %get3A_64 = arith.index_cast %scan3A_39 : i32 to index
        %get3A_65 = arith.constant 16 : index
        %get3A_66 = tpu.vector_load %arg10[%get3A_64, %get3A_65] {strides = array<i32>} : memref<16x128xf32, #tpu.memory_space<vmem>>, vector<16xf32>,
        %add3A_67 = arith.addf %get3A_63, %get3A_66 : vector<16xf32>
        %mul3A_68 = vector.broadcast %reduce_sum3A_43 : f32 to vector<16xf32>
        %mul3A_69 = arith.mulf %add3A_67, %mul3A_68 : vector<16xf32>
        %get3A_70 = arith.index_cast %scan3A_39 : i32 to index
        %get3A_71 = arith.constant 16 : index
        %get3A_72 = tpu.vector_load %arg11[%get3A_70, %get3A_71] {strides = array<i32>} : memref<16x256xf32, #tpu.memory_space<vmem>>, vector<16xf32>,
        %add3A_73 = arith.addf %mul3A_69, %get3A_72 : vector<16xf32>
        %get3A_74 = arith.constant 16 : index
        %get3A_75 = tpu.vector_load %arg8[%get3A_74] {strides = array<i32>} : memref<128xf32, #tpu.memory_space<vmem>>, vector<16xf32>,
        %add3A_76 = arith.addf %add3A_73, %get3A_75 : vector<16xf32>
        %swap3A_77 = arith.index_cast %scan3A_39 : i32 to index
        %swap3A_78 = arith.constant 16 : index
        %swap3A_79 = tpu.vector_load %arg12[%swap3A_77, %swap3A_78] {strides = array<i32>} : memref<16x128xf32, #tpu.memory_space<vmem>>, vector<16xf32>,
        tpu.vector_store %arg12[%swap3A_77, %swap3A_78], %add3A_76 {strides = array<i32>} : memref<16x128xf32, #tpu.memory_space<vmem>>, vector<16xf32>,
        %get3A_80 = arith.index_cast %scan3A_39 : i32 to index
        %get3A_81 = arith.constant 32 : index
        %get3A_82 = tpu.vector_load %arg9[%get3A_80, %get3A_81] {strides = array<i32>} : memref<16x128xf32, #tpu.memory_space<vmem>>, vector<16xf32>,
        %get3A_83 = arith.index_cast %scan3A_39 : i32 to index
        %get3A_84 = arith.constant 32 : index
        %get3A_85 = tpu.vector_load %arg10[%get3A_83, %get3A_84] {strides = array<i32>} : memref<16x128xf32, #tpu.memory_space<vmem>>, vector<16xf32>,
        %add3A_86 = arith.addf %get3A_82, %get3A_85 : vector<16xf32>
        %mul3A_87 = vector.broadcast %reduce_sum3A_43 : f32 to vector<16xf32>
        %mul3A_88 = arith.mulf %add3A_86, %mul3A_87 : vector<16xf32>
        %get3A_89 = arith.index_cast %scan3A_39 : i32 to index
        %get3A_90 = arith.constant 32 : index
        %get3A_91 = tpu.vector_load %arg11[%get3A_89, %get3A_90] {strides = array<i32>} : memref<16x256xf32, #tpu.memory_space<vmem>>, vector<16xf32>,
        %add3A_92 = arith.addf %mul3A_88, %get3A_91 : vector<16xf32>
        %get3A_93 = arith.constant 32 : index
        %get3A_94 = tpu.vector_load %arg8[%get3A_93] {strides = array<i32>} : memref<128xf32, #tpu.memory_space<vmem>>, vector<16xf32>,
        %add3A_95 = arith.addf %add3A_92, %get3A_94 : vector<16xf32>
        %swap3A_96 = arith.index_cast %scan3A_39 : i32 to index
        %swap3A_97 = arith.constant 32 : index
        %swap3A_98 = tpu.vector_load %arg12[%swap3A_96, %swap3A_97] {strides = array<i32>} : memref<16x128xf32, #tpu.memory_space<vmem>>, vector<16xf32>,
        tpu.vector_store %arg12[%swap3A_96, %swap3A_97], %add3A_95 {strides = array<i32>} : memref<16x128xf32, #tpu.memory_space<vmem>>, vector<16xf32>,
        %get3A_99 = arith.index_cast %scan3A_39 : i32 to index
        %get3A_100 = arith.constant 48 : index
        %get3A_101 = tpu.vector_load %arg9[%get3A_99, %get3A_100] {strides = array<i32>} : memref<16x128xf32, #tpu.memory_space<vmem>>, vector<16xf32>,
        %get3A_102 = arith.index_cast %scan3A_39 : i32 to index
        %get3A_103 = arith.constant 48 : index
        %get3A_104 = tpu.vector_load %arg10[%get3A_102, %get3A_103] {strides = array<i32>} : memref<16x128xf32, #tpu.memory_space<vmem>>, vector<16xf32>,
        %add3A_105 = arith.addf %get3A_101, %get3A_104 : vector<16xf32>
        %mul3A_106 = vector.broadcast %reduce_sum3A_43 : f32 to vector<16xf32>
        %mul3A_107 = arith.mulf %add3A_105, %mul3A_106 : vector<16xf32>
        %get3A_108 = arith.index_cast %scan3A_39 : i32 to index
        %get3A_109 = arith.constant 48 : index
        %get3A_110 = tpu.vector_load %arg11[%get3A_108, %get3A_109] {strides = array<i32>} : memref<16x256xf32, #tpu.memory_space<vmem>>, vector<16xf32>,
        %add3A_111 = arith.addf %mul3A_107, %get3A_110 : vector<16xf32>
        %get3A_112 = arith.constant 48 : index
        %get3A_113 = tpu.vector_load %arg8[%get3A_112] {strides = array<i32>} : memref<128xf32, #tpu.memory_space<vmem>>, vector<16xf32>,
        %add3A_114 = arith.addf %add3A_111, %get3A_113 : vector<16xf32>
        %swap3A_115 = arith.index_cast %scan3A_39 : i32 to index
        %swap3A_116 = arith.constant 48 : index
        %swap3A_117 = tpu.vector_load %arg12[%swap3A_115, %swap3A_116] {strides = array<i32>} : memref<16x128xf32, #tpu.memory_space<vmem>>, vector<16xf32>,
        tpu.vector_store %arg12[%swap3A_115, %swap3A_116], %add3A_114 {strides = array<i32>} : memref<16x128xf32, #tpu.memory_space<vmem>>, vector<16xf32>,
        %get3A_118 = arith.index_cast %scan3A_39 : i32 to index
        %get3A_119 = arith.constant 64 : index
        %get3A_120 = tpu.vector_load %arg9[%get3A_118, %get3A_119] {strides = array<i32>} : memref<16x128xf32, #tpu.memory_space<vmem>>, vector<16xf32>,
        %get3A_121 = arith.index_cast %scan3A_39 : i32 to index
        %get3A_122 = arith.constant 64 : index
        %get3A_123 = tpu.vector_load %arg10[%get3A_121, %get3A_122] {strides = array<i32>} : memref<16x128xf32, #tpu.memory_space<vmem>>, vector<16xf32>,
        %add3A_124 = arith.addf %get3A_120, %get3A_123 : vector<16xf32>
        %mul3A_125 = vector.broadcast %reduce_sum3A_43 : f32 to vector<16xf32>
        %mul3A_126 = arith.mulf %add3A_124, %mul3A_125 : vector<16xf32>
        %get3A_127 = arith.index_cast %scan3A_39 : i32 to index
        %get3A_128 = arith.constant 64 : index
        %get3A_129 = tpu.vector_load %arg11[%get3A_127, %get3A_128] {strides = array<i32>} : memref<16x256xf32, #tpu.memory_space<vmem>>, vector<16xf32>,
        %add3A_130 = arith.addf %mul3A_126, %get3A_129 : vector<16xf32>
        %get3A_131 = arith.constant 64 : index
        %get3A_132 = tpu.vector_load %arg8[%get3A_131] {strides = array<i32>} : memref<128xf32, #tpu.memory_space<vmem>>, vector<16xf32>,
        %add3A_133 = arith.addf %add3A_130, %get3A_132 : vector<16xf32>
        %swap3A_134 = arith.index_cast %scan3A_39 : i32 to index
        %swap3A_135 = arith.constant 64 : index
        %swap3A_136 = tpu.vector_load %arg12[%swap3A_134, %swap3A_135] {strides = array<i32>} : memref<16x128xf32, #tpu.memory_space<vmem>>, vector<16xf32>,
        tpu.vector_store %arg12[%swap3A_134, %swap3A_135], %add3A_133 {strides = array<i32>} : memref<16x128xf32, #tpu.memory_space<vmem>>, vector<16xf32>,
        %get3A_137 = arith.index_cast %scan3A_39 : i32 to index
        %get3A_138 = arith.constant 80 : index
        %get3A_139 = tpu.vector_load %arg9[%get3A_137, %get3A_138] {strides = array<i32>} : memref<16x128xf32, #tpu.memory_space<vmem>>, vector<16xf32>,
        %get3A_140 = arith.index_cast %scan3A_39 : i32 to index
        %get3A_141 = arith.constant 80 : index
        %get3A_142 = tpu.vector_load %arg10[%get3A_140, %get3A_141] {strides = array<i32>} : memref<16x128xf32, #tpu.memory_space<vmem>>, vector<16xf32>,
        %add3A_143 = arith.addf %get3A_139, %get3A_142 : vector<16xf32>
        %mul3A_144 = vector.broadcast %reduce_sum3A_43 : f32 to vector<16xf32>
        %mul3A_145 = arith.mulf %add3A_143, %mul3A_144 : vector<16xf32>
        %get3A_146 = arith.index_cast %scan3A_39 : i32 to index
        %get3A_147 = arith.constant 80 : index
        %get3A_148 = tpu.vector_load %arg11[%get3A_146, %get3A_147] {strides = array<i32>} : memref<16x256xf32, #tpu.memory_space<vmem>>, vector<16xf32>,
        %add3A_149 = arith.addf %mul3A_145, %get3A_148 : vector<16xf32>
        %get3A_150 = arith.constant 80 : index
        %get3A_151 = tpu.vector_load %arg8[%get3A_150] {strides = array<i32>} : memref<128xf32, #tpu.memory_space<vmem>>, vector<16xf32>,
        %add3A_152 = arith.addf %add3A_149, %get3A_151 : vector<16xf32>
        %swap3A_153 = arith.index_cast %scan3A_39 : i32 to index
        %swap3A_154 = arith.constant 80 : index
        %swap3A_155 = tpu.vector_load %arg12[%swap3A_153, %swap3A_154] {strides = array<i32>} : memref<16x128xf32, #tpu.memory_space<vmem>>, vector<16xf32>,
        tpu.vector_store %arg12[%swap3A_153, %swap3A_154], %add3A_152 {strides = array<i32>} : memref<16x128xf32, #tpu.memory_space<vmem>>, vector<16xf32>,
        %get3A_156 = arith.index_cast %scan3A_39 : i32 to index
        %get3A_157 = arith.constant 96 : index
        %get3A_158 = tpu.vector_load %arg9[%get3A_156, %get3A_157] {strides = array<i32>} : memref<16x128xf32, #tpu.memory_space<vmem>>, vector<16xf32>,
        %get3A_159 = arith.index_cast %scan3A_39 : i32 to index
        %get3A_160 = arith.constant 96 : index
        %get3A_161 = tpu.vector_load %arg10[%get3A_159, %get3A_160] {strides = array<i32>} : memref<16x128xf32, #tpu.memory_space<vmem>>, vector<16xf32>,
        %add3A_162 = arith.addf %get3A_158, %get3A_161 : vector<16xf32>
        %mul3A_163 = vector.broadcast %reduce_sum3A_43 : f32 to vector<16xf32>
        %mul3A_164 = arith.mulf %add3A_162, %mul3A_163 : vector<16xf32>
        %get3A_165 = arith.index_cast %scan3A_39 : i32 to index
        %get3A_166 = arith.constant 96 : index
        %get3A_167 = tpu.vector_load %arg11[%get3A_165, %get3A_166] {strides = array<i32>} : memref<16x256xf32, #tpu.memory_space<vmem>>, vector<16xf32>,
        %add3A_168 = arith.addf %mul3A_164, %get3A_167 : vector<16xf32>
        %get3A_169 = arith.constant 96 : index
        %get3A_170 = tpu.vector_load %arg8[%get3A_169] {strides = array<i32>} : memref<128xf32, #tpu.memory_space<vmem>>, vector<16xf32>,
        %add3A_171 = arith.addf %add3A_168, %get3A_170 : vector<16xf32>
        %swap3A_172 = arith.index_cast %scan3A_39 : i32 to index
        %swap3A_173 = arith.constant 96 : index
        %swap3A_174 = tpu.vector_load %arg12[%swap3A_172, %swap3A_173] {strides = array<i32>} : memref<16x128xf32, #tpu.memory_space<vmem>>, vector<16xf32>,
        tpu.vector_store %arg12[%swap3A_172, %swap3A_173], %add3A_171 {strides = array<i32>} : memref<16x128xf32, #tpu.memory_space<vmem>>, vector<16xf32>,
        %get3A_175 = arith.index_cast %scan3A_39 : i32 to index
        %get3A_176 = arith.constant 112 : index
        %get3A_177 = tpu.vector_load %arg9[%get3A_175, %get3A_176] {strides = array<i32>} : memref<16x128xf32, #tpu.memory_space<vmem>>, vector<16xf32>,
        %get3A_178 = arith.index_cast %scan3A_39 : i32 to index
        %get3A_179 = arith.constant 112 : index
        %get3A_180 = tpu.vector_load %arg10[%get3A_178, %get3A_179] {strides = array<i32>} : memref<16x128xf32, #tpu.memory_space<vmem>>, vector<16xf32>,
        %add3A_181 = arith.addf %get3A_177, %get3A_180 : vector<16xf32>
        %mul3A_182 = vector.broadcast %reduce_sum3A_43 : f32 to vector<16xf32>
        %mul3A_183 = arith.mulf %add3A_181, %mul3A_182 : vector<16xf32>
        %get3A_184 = arith.index_cast %scan3A_39 : i32 to index
        %get3A_185 = arith.constant 112 : index
        %get3A_186 = tpu.vector_load %arg11[%get3A_184, %get3A_185] {strides = array<i32>} : memref<16x256xf32, #tpu.memory_space<vmem>>, vector<16xf32>,
        %add3A_187 = arith.addf %mul3A_183, %get3A_186 : vector<16xf32>
        %get3A_188 = arith.constant 112 : index
        %get3A_189 = tpu.vector_load %arg8[%get3A_188] {strides = array<i32>} : memref<128xf32, #tpu.memory_space<vmem>>, vector<16xf32>,
        %add3A_190 = arith.addf %add3A_187, %get3A_189 : vector<16xf32>
        %swap3A_191 = arith.index_cast %scan3A_39 : i32 to index
        %swap3A_192 = arith.constant 112 : index
        %swap3A_193 = tpu.vector_load %arg12[%swap3A_191, %swap3A_192] {strides = array<i32>} : memref<16x128xf32, #tpu.memory_space<vmem>>, vector<16xf32>,
        tpu.vector_store %arg12[%swap3A_191, %swap3A_192], %add3A_190 {strides = array<i32>} : memref<16x128xf32, #tpu.memory_space<vmem>>, vector<16xf32>,
        %add3A_194 = arith.constant 1 : i32
        %add3A_195 = arith.addi %scan3A_39, %add3A_194 : i32
        scf.yield %add3A_195 : i32
      }
      %scan3A_35 = arith.constant 16 : i32
      "tpu.region"() ({
        %run_scoped3A_38 = tpu.sem_alloc : memref<!tpu.dma_semaphore, #tpu.memory_space<semaphore_mem>>
        %dma_start3A = arith.constant 0 : i32
        %dma_start3A_39 = tpu.memref_slice %arg5[%multiple_of3A_13, %dma_start3A] : memref<10240x128xf32, #tpu.memory_space<hbm>> -> memref<16x128xf32, #tpu.memory_space<hbm>>
        %dma_start3A_40 = arith.constant 0 : i32
        %dma_start3A_41 = tpu.memref_slice %arg5[%multiple_of3A_13, %dma_start3A_40] : memref<10240x128xf32, #tpu.memory_space<hbm>> -> memref<16x128xf32, #tpu.memory_space<hbm>>
        tpu.enqueue_dma source(%arg12 : memref<16x128xf32, #tpu.memory_space<vmem>>) target(%dma_start3A_41 : memref<16x128xf32, #tpu.memory_space<hbm>>) target_semaphore(%run_scoped3A_38 : memref<!tpu.dma_semaphore, #tpu.memory_space<semaphore_mem>>)
        %dma_wait3A = arith.constant 0 : i32
        %dma_wait3A_42 = tpu.memref_slice %arg5[%multiple_of3A_13, %dma_wait3A] : memref<10240x128xf32, #tpu.memory_space<hbm>> -> memref<16x128xf32, #tpu.memory_space<hbm>>
        %dma_wait3A_43 = arith.constant 0 : i32
        %dma_wait3A_44 = tpu.memref_slice %arg5[%multiple_of3A_13, %dma_wait3A_43] : memref<10240x128xf32, #tpu.memory_space<hbm>> -> memref<16x128xf32, #tpu.memory_space<hbm>>
        tpu.wait_dma2 semaphore(%run_scoped3A_38 : memref<!tpu.dma_semaphore, #tpu.memory_space<semaphore_mem>>) src(%arg12 : memref<16x128xf32, #tpu.memory_space<vmem>>) dst(%dma_wait3A_44 : memref<16x128xf32, #tpu.memory_space<hbm>>)
        tpu.yield
      }) : () -> ()
      %add3A_36 = arith.constant 16 : i32
      %add3A_37 = arith.addi %multiple_of3A_13, %add3A_36 : i32
      scf.yield %add3A_37 : i32
    }
    %scan3A_10 = arith.constant 20 : i32
    return
  }
}

#map = affine_map<(d0, d1) -> (0)>
#map1 = affine_map<(d0, d1) -> (0, 0)>
#map2 = affine_map<(d0, d1) -> (0, 0, 0)>
module attributes {stable_mosaic.version = 14 : i64} {
  func.func @_sc_body(%arg0: i32, %arg1: i32, %arg2: memref<160256xi32, #tpu.memory_space<hbm>>, %arg3: memref<160256xi32, #tpu.memory_space<hbm>>, %arg4: memref<160256xf32, #tpu.memory_space<hbm>>, %arg5: memref<160256xf32, #tpu.memory_space<hbm>>, %arg6: memref<10000xf32, #tpu.memory_space<hbm>>, %arg7: memref<250000x128xf32, #tpu.memory_space<hbm>>, %arg8: memref<128xf32, #tpu.memory_space<hbm>>, %arg9: memref<656x128xf32, #tpu.memory_space<hbm>>, %arg10: memref<2x10496x128xf32, #tpu.memory_space<hbm>>, %arg11: memref<5008xi32, #tpu.memory_space<vmem>>, %arg12: memref<5008xi32, #tpu.memory_space<vmem>>, %arg13: memref<5008xf32, #tpu.memory_space<vmem>>, %arg14: memref<5008xf32, #tpu.memory_space<vmem>>, %arg15: memref<10000xf32, #tpu.memory_space<vmem>>, %arg16: memref<128xf32, #tpu.memory_space<vmem>>, %arg17: memref<16x128xf32, #tpu.memory_space<vmem>>, %arg18: memref<16x128xf32, #tpu.memory_space<vmem>>, %arg19: memref<16x128xf32, #tpu.memory_space<vmem>>, %arg20: memref<16x128xf32, #tpu.memory_space<vmem>>, %arg21: memref<16x128xf32, #tpu.memory_space<vmem>>, %arg22: memref<16x128xf32, #tpu.memory_space<vmem>>, %arg23: memref<16x128xf32, #tpu.memory_space<vmem>>, %arg24: memref<10496x128xf32, #tpu.memory_space<vmem_shared>>, %arg25: memref<!tpu.dma_semaphore, #tpu.memory_space<semaphore_mem>>) attributes {dimension_semantics = [#tpu.dimension_semantics<core_parallel>, #tpu.dimension_semantics<subcore_parallel>], iteration_bounds = array<i64: 2, 16>, scalar_prefetch = 0 : i64, scratch_operands = 15 : i64, tpu.core_type = #tpu.core_type<sc_vector_subcore>, window_params = [{transform_indices = #map}, {transform_indices = #map}, {transform_indices = #map}, {transform_indices = #map}, {transform_indices = #map}, {transform_indices = #map1}, {transform_indices = #map}, {transform_indices = #map1}, {transform_indices = #map2}]} {
    %mul3A = arith.constant 2 : i32
    %mul3A_0 = arith.muli %arg1, %mul3A : i32
    %add3A = arith.addi %mul3A_0, %arg0 : i32
    %mul3A_1 = arith.constant 5008 : i32
    %mul3A_2 = arith.muli %add3A, %mul3A_1 : i32
    %multiple_of3A = tpu.assume_multiple %mul3A_2, 16 : i32
    "tpu.region"() ({
      %run_scoped3A = tpu.sem_alloc : memref<!tpu.dma_semaphore, #tpu.memory_space<semaphore_mem>>
      %dma_start3A = tpu.memref_slice %arg2[%multiple_of3A] : memref<160256xi32, #tpu.memory_space<hbm>> -> memref<5008xi32, #tpu.memory_space<hbm>>
      %dma_start3A_16 = tpu.memref_slice %arg2[%multiple_of3A] : memref<160256xi32, #tpu.memory_space<hbm>> -> memref<5008xi32, #tpu.memory_space<hbm>>
      tpu.enqueue_dma source(%dma_start3A_16 : memref<5008xi32, #tpu.memory_space<hbm>>) target(%arg11 : memref<5008xi32, #tpu.memory_space<vmem>>) target_semaphore(%run_scoped3A : memref<!tpu.dma_semaphore, #tpu.memory_space<semaphore_mem>>)
      %dma_wait3A = tpu.memref_slice %arg2[%multiple_of3A] : memref<160256xi32, #tpu.memory_space<hbm>> -> memref<5008xi32, #tpu.memory_space<hbm>>
      %dma_wait3A_17 = tpu.memref_slice %arg2[%multiple_of3A] : memref<160256xi32, #tpu.memory_space<hbm>> -> memref<5008xi32, #tpu.memory_space<hbm>>
      tpu.wait_dma2 semaphore(%run_scoped3A : memref<!tpu.dma_semaphore, #tpu.memory_space<semaphore_mem>>) src(%dma_wait3A_17 : memref<5008xi32, #tpu.memory_space<hbm>>) dst(%arg11 : memref<5008xi32, #tpu.memory_space<vmem>>)
      tpu.yield
    }) : () -> ()
    "tpu.region"() ({
      %run_scoped3A = tpu.sem_alloc : memref<!tpu.dma_semaphore, #tpu.memory_space<semaphore_mem>>
      %dma_start3A = tpu.memref_slice %arg3[%multiple_of3A] : memref<160256xi32, #tpu.memory_space<hbm>> -> memref<5008xi32, #tpu.memory_space<hbm>>
      %dma_start3A_16 = tpu.memref_slice %arg3[%multiple_of3A] : memref<160256xi32, #tpu.memory_space<hbm>> -> memref<5008xi32, #tpu.memory_space<hbm>>
      tpu.enqueue_dma source(%dma_start3A_16 : memref<5008xi32, #tpu.memory_space<hbm>>) target(%arg12 : memref<5008xi32, #tpu.memory_space<vmem>>) target_semaphore(%run_scoped3A : memref<!tpu.dma_semaphore, #tpu.memory_space<semaphore_mem>>)
      %dma_wait3A = tpu.memref_slice %arg3[%multiple_of3A] : memref<160256xi32, #tpu.memory_space<hbm>> -> memref<5008xi32, #tpu.memory_space<hbm>>
      %dma_wait3A_17 = tpu.memref_slice %arg3[%multiple_of3A] : memref<160256xi32, #tpu.memory_space<hbm>> -> memref<5008xi32, #tpu.memory_space<hbm>>
      tpu.wait_dma2 semaphore(%run_scoped3A : memref<!tpu.dma_semaphore, #tpu.memory_space<semaphore_mem>>) src(%dma_wait3A_17 : memref<5008xi32, #tpu.memory_space<hbm>>) dst(%arg12 : memref<5008xi32, #tpu.memory_space<vmem>>)
      tpu.yield
    }) : () -> ()
    "tpu.region"() ({
      %run_scoped3A = tpu.sem_alloc : memref<!tpu.dma_semaphore, #tpu.memory_space<semaphore_mem>>
      %dma_start3A = tpu.memref_slice %arg4[%multiple_of3A] : memref<160256xf32, #tpu.memory_space<hbm>> -> memref<5008xf32, #tpu.memory_space<hbm>>
      %dma_start3A_16 = tpu.memref_slice %arg4[%multiple_of3A] : memref<160256xf32, #tpu.memory_space<hbm>> -> memref<5008xf32, #tpu.memory_space<hbm>>
      tpu.enqueue_dma source(%dma_start3A_16 : memref<5008xf32, #tpu.memory_space<hbm>>) target(%arg13 : memref<5008xf32, #tpu.memory_space<vmem>>) target_semaphore(%run_scoped3A : memref<!tpu.dma_semaphore, #tpu.memory_space<semaphore_mem>>)
      %dma_wait3A = tpu.memref_slice %arg4[%multiple_of3A] : memref<160256xf32, #tpu.memory_space<hbm>> -> memref<5008xf32, #tpu.memory_space<hbm>>
      %dma_wait3A_17 = tpu.memref_slice %arg4[%multiple_of3A] : memref<160256xf32, #tpu.memory_space<hbm>> -> memref<5008xf32, #tpu.memory_space<hbm>>
      tpu.wait_dma2 semaphore(%run_scoped3A : memref<!tpu.dma_semaphore, #tpu.memory_space<semaphore_mem>>) src(%dma_wait3A_17 : memref<5008xf32, #tpu.memory_space<hbm>>) dst(%arg13 : memref<5008xf32, #tpu.memory_space<vmem>>)
      tpu.yield
    }) : () -> ()
    "tpu.region"() ({
      %run_scoped3A = tpu.sem_alloc : memref<!tpu.dma_semaphore, #tpu.memory_space<semaphore_mem>>
      %dma_start3A = tpu.memref_slice %arg5[%multiple_of3A] : memref<160256xf32, #tpu.memory_space<hbm>> -> memref<5008xf32, #tpu.memory_space<hbm>>
      %dma_start3A_16 = tpu.memref_slice %arg5[%multiple_of3A] : memref<160256xf32, #tpu.memory_space<hbm>> -> memref<5008xf32, #tpu.memory_space<hbm>>
      tpu.enqueue_dma source(%dma_start3A_16 : memref<5008xf32, #tpu.memory_space<hbm>>) target(%arg14 : memref<5008xf32, #tpu.memory_space<vmem>>) target_semaphore(%run_scoped3A : memref<!tpu.dma_semaphore, #tpu.memory_space<semaphore_mem>>)
      %dma_wait3A = tpu.memref_slice %arg5[%multiple_of3A] : memref<160256xf32, #tpu.memory_space<hbm>> -> memref<5008xf32, #tpu.memory_space<hbm>>
      %dma_wait3A_17 = tpu.memref_slice %arg5[%multiple_of3A] : memref<160256xf32, #tpu.memory_space<hbm>> -> memref<5008xf32, #tpu.memory_space<hbm>>
      tpu.wait_dma2 semaphore(%run_scoped3A : memref<!tpu.dma_semaphore, #tpu.memory_space<semaphore_mem>>) src(%dma_wait3A_17 : memref<5008xf32, #tpu.memory_space<hbm>>) dst(%arg14 : memref<5008xf32, #tpu.memory_space<vmem>>)
      tpu.yield
    }) : () -> ()
    "tpu.region"() ({
      %run_scoped3A = tpu.sem_alloc : memref<!tpu.dma_semaphore, #tpu.memory_space<semaphore_mem>>
      tpu.enqueue_dma source(%arg6 : memref<10000xf32, #tpu.memory_space<hbm>>) target(%arg15 : memref<10000xf32, #tpu.memory_space<vmem>>) target_semaphore(%run_scoped3A : memref<!tpu.dma_semaphore, #tpu.memory_space<semaphore_mem>>)
      tpu.wait_dma2 semaphore(%run_scoped3A : memref<!tpu.dma_semaphore, #tpu.memory_space<semaphore_mem>>) src(%arg6 : memref<10000xf32, #tpu.memory_space<hbm>>) dst(%arg15 : memref<10000xf32, #tpu.memory_space<vmem>>)
      tpu.yield
    }) : () -> ()
    "tpu.region"() ({
      %run_scoped3A = tpu.sem_alloc : memref<!tpu.dma_semaphore, #tpu.memory_space<semaphore_mem>>
      tpu.enqueue_dma source(%arg8 : memref<128xf32, #tpu.memory_space<hbm>>) target(%arg16 : memref<128xf32, #tpu.memory_space<vmem>>) target_semaphore(%run_scoped3A : memref<!tpu.dma_semaphore, #tpu.memory_space<semaphore_mem>>)
      tpu.wait_dma2 semaphore(%run_scoped3A : memref<!tpu.dma_semaphore, #tpu.memory_space<semaphore_mem>>) src(%arg8 : memref<128xf32, #tpu.memory_space<hbm>>) dst(%arg16 : memref<128xf32, #tpu.memory_space<vmem>>)
      tpu.yield
    }) : () -> ()
    %mul3A_3 = arith.constant 656 : i32
    %mul3A_4 = arith.muli %arg1, %mul3A_3 : i32
    %multiple_of3A_5 = tpu.assume_multiple %mul3A_4, 16 : i32
    "tpu.region"() ({
      %run_scoped3A = tpu.sem_alloc : memref<!tpu.dma_semaphore, #tpu.memory_space<semaphore_mem>>
      %dma_start3A = arith.constant 0 : i32
      %dma_start3A_16 = tpu.memref_slice %arg24[%multiple_of3A_5, %dma_start3A] : memref<10496x128xf32, #tpu.memory_space<vmem_shared>> -> memref<656x128xf32, #tpu.memory_space<vmem_shared>>
      tpu.enqueue_dma source(%arg9 : memref<656x128xf32, #tpu.memory_space<hbm>>) target(%dma_start3A_16 : memref<656x128xf32, #tpu.memory_space<vmem_shared>>) target_semaphore(%run_scoped3A : memref<!tpu.dma_semaphore, #tpu.memory_space<semaphore_mem>>)
      %dma_wait3A = arith.constant 0 : i32
      %dma_wait3A_17 = tpu.memref_slice %arg24[%multiple_of3A_5, %dma_wait3A] : memref<10496x128xf32, #tpu.memory_space<vmem_shared>> -> memref<656x128xf32, #tpu.memory_space<vmem_shared>>
      tpu.wait_dma2 semaphore(%run_scoped3A : memref<!tpu.dma_semaphore, #tpu.memory_space<semaphore_mem>>) src(%arg9 : memref<656x128xf32, #tpu.memory_space<hbm>>) dst(%dma_wait3A_17 : memref<656x128xf32, #tpu.memory_space<vmem_shared>>)
      tpu.yield
    }) : () -> ()
    %barrier3A = arith.constant 0 : index
    tpu.barrier barrier_id(%barrier3A)
    %iota3A = tpu.iota {dimensions = array<i32: 0>} : vector<16xi32>
    %scan3A = arith.constant 0 : i32
    %scan3A_6 = arith.constant 0 : i32
    %scan3A_7 = arith.constant 313 : i32
    %scan3A_8 = arith.addi %scan3A_6, %scan3A_7 : i32
    %scan3A_9 = arith.constant 1 : i32
    %scan3A_10 = scf.for %scan3A_16 = %scan3A_6 to %scan3A_8 step %scan3A_9 iter_args(%scan3A_17 = %scan3A) -> (i32)  : i32 {
      %multiple_of3A_18 = tpu.assume_multiple %scan3A_17, 16 : i32
      %get3A = arith.index_cast %multiple_of3A_18 : i32 to index
      %get3A_19 = tpu.vector_load %arg11[%get3A] {strides = array<i32>} : memref<5008xi32, #tpu.memory_space<vmem>>, vector<16xi32>,
      %get3A_20 = arith.index_cast %multiple_of3A_18 : i32 to index
      %get3A_21 = tpu.vector_load %arg12[%get3A_20] {strides = array<i32>} : memref<5008xi32, #tpu.memory_space<vmem>>, vector<16xi32>,
      %get3A_22 = arith.index_cast %multiple_of3A_18 : i32 to index
      %get3A_23 = tpu.vector_load %arg13[%get3A_22] {strides = array<i32>} : memref<5008xf32, #tpu.memory_space<vmem>>, vector<16xf32>,
      %get3A_24 = arith.index_cast %multiple_of3A_18 : i32 to index
      %get3A_25 = tpu.vector_load %arg14[%get3A_24] {strides = array<i32>} : memref<5008xf32, #tpu.memory_space<vmem>>, vector<16xf32>,
      %mul3A_26 = arith.constant 4.000000e+00 : f32
      %mul3A_27 = vector.broadcast %mul3A_26 : f32 to vector<16xf32>
      %mul3A_28 = arith.mulf %get3A_23, %mul3A_27 : vector<16xf32>
      %mul3A_29 = arith.constant 4.000000e+00 : f32
      %mul3A_30 = vector.broadcast %mul3A_29 : f32 to vector<16xf32>
      %mul3A_31 = arith.mulf %get3A_25, %mul3A_30 : vector<16xf32>
      %convert_element_type3A = arith.fptosi %mul3A_28 : vector<16xf32> to vector<16xi32>
      %max3A = arith.constant 0 : i32
      %max3A_32 = vector.broadcast %max3A : i32 to vector<16xi32>
      %max3A_33 = arith.maxsi %convert_element_type3A, %max3A_32 : vector<16xi32>
      %min3A = arith.constant 3 : i32
      %min3A_34 = vector.broadcast %min3A : i32 to vector<16xi32>
      %min3A_35 = arith.minsi %max3A_33, %min3A_34 : vector<16xi32>
      %convert_element_type3A_36 = arith.fptosi %mul3A_31 : vector<16xf32> to vector<16xi32>
      %max3A_37 = arith.constant 0 : i32
      %max3A_38 = vector.broadcast %max3A_37 : i32 to vector<16xi32>
      %max3A_39 = arith.maxsi %convert_element_type3A_36, %max3A_38 : vector<16xi32>
      %min3A_40 = arith.constant 3 : i32
      %min3A_41 = vector.broadcast %min3A_40 : i32 to vector<16xi32>
      %min3A_42 = arith.minsi %max3A_39, %min3A_41 : vector<16xi32>
      %convert_element_type3A_43 = arith.sitofp %min3A_35 : vector<16xi32> to vector<16xf32>
      %sub3A = arith.subf %mul3A_28, %convert_element_type3A_43 : vector<16xf32>
      %convert_element_type3A_44 = arith.sitofp %min3A_42 : vector<16xi32> to vector<16xf32>
      %sub3A_45 = arith.subf %mul3A_31, %convert_element_type3A_44 : vector<16xf32>
      %mul3A_46 = arith.constant 25 : i32
      %mul3A_47 = vector.broadcast %mul3A_46 : i32 to vector<16xi32>
      %mul3A_48 = arith.muli %get3A_21, %mul3A_47 : vector<16xi32>
      %add3A_49 = arith.addi %mul3A_48, %min3A_35 : vector<16xi32>
      %mul3A_50 = arith.constant 5 : i32
      %mul3A_51 = vector.broadcast %mul3A_50 : i32 to vector<16xi32>
      %mul3A_52 = arith.muli %min3A_42, %mul3A_51 : vector<16xi32>
      %add3A_53 = arith.addi %add3A_49, %mul3A_52 : vector<16xi32>
      %dma_start3A = arith.constant 0 : i32
      %dma_start3A_54 = arith.constant 0 : i32
      %dma_start3A_55 = tpu.memref_slice %arg7[%dma_start3A, %dma_start3A_54] : memref<250000x128xf32, #tpu.memory_space<hbm>> -> memref<250000x128xf32, #tpu.memory_space<hbm>>
      tpu.enqueue_indirect_dma source(%dma_start3A_55 : memref<250000x128xf32, #tpu.memory_space<hbm>>) target(%arg17 : memref<16x128xf32, #tpu.memory_space<vmem>>) offsets(%add3A_53 : vector<16xi32>) semaphore(%arg25 : memref<!tpu.dma_semaphore, #tpu.memory_space<semaphore_mem>>)
      %add3A_56 = arith.constant 1 : i32
      %add3A_57 = vector.broadcast %add3A_56 : i32 to vector<16xi32>
      %add3A_58 = arith.addi %add3A_53, %add3A_57 : vector<16xi32>
      %dma_start3A_59 = arith.constant 0 : i32
      %dma_start3A_60 = arith.constant 0 : i32
      %dma_start3A_61 = tpu.memref_slice %arg7[%dma_start3A_59, %dma_start3A_60] : memref<250000x128xf32, #tpu.memory_space<hbm>> -> memref<250000x128xf32, #tpu.memory_space<hbm>>
      tpu.enqueue_indirect_dma source(%dma_start3A_61 : memref<250000x128xf32, #tpu.memory_space<hbm>>) target(%arg18 : memref<16x128xf32, #tpu.memory_space<vmem>>) offsets(%add3A_58 : vector<16xi32>) semaphore(%arg25 : memref<!tpu.dma_semaphore, #tpu.memory_space<semaphore_mem>>)
      %add3A_62 = arith.constant 5 : i32
      %add3A_63 = vector.broadcast %add3A_62 : i32 to vector<16xi32>
      %add3A_64 = arith.addi %add3A_53, %add3A_63 : vector<16xi32>
      %dma_start3A_65 = arith.constant 0 : i32
      %dma_start3A_66 = arith.constant 0 : i32
      %dma_start3A_67 = tpu.memref_slice %arg7[%dma_start3A_65, %dma_start3A_66] : memref<250000x128xf32, #tpu.memory_space<hbm>> -> memref<250000x128xf32, #tpu.memory_space<hbm>>
      tpu.enqueue_indirect_dma source(%dma_start3A_67 : memref<250000x128xf32, #tpu.memory_space<hbm>>) target(%arg19 : memref<16x128xf32, #tpu.memory_space<vmem>>) offsets(%add3A_64 : vector<16xi32>) semaphore(%arg25 : memref<!tpu.dma_semaphore, #tpu.memory_space<semaphore_mem>>)
      %add3A_68 = arith.constant 6 : i32
      %add3A_69 = vector.broadcast %add3A_68 : i32 to vector<16xi32>
      %add3A_70 = arith.addi %add3A_53, %add3A_69 : vector<16xi32>
      %dma_start3A_71 = arith.constant 0 : i32
      %dma_start3A_72 = arith.constant 0 : i32
      %dma_start3A_73 = tpu.memref_slice %arg7[%dma_start3A_71, %dma_start3A_72] : memref<250000x128xf32, #tpu.memory_space<hbm>> -> memref<250000x128xf32, #tpu.memory_space<hbm>>
      tpu.enqueue_indirect_dma source(%dma_start3A_73 : memref<250000x128xf32, #tpu.memory_space<hbm>>) target(%arg20 : memref<16x128xf32, #tpu.memory_space<vmem>>) offsets(%add3A_70 : vector<16xi32>) semaphore(%arg25 : memref<!tpu.dma_semaphore, #tpu.memory_space<semaphore_mem>>)
      %sub3A_74 = arith.constant 1.000000e+00 : f32
      %sub3A_75 = vector.broadcast %sub3A_74 : f32 to vector<16xf32>
      %sub3A_76 = arith.subf %sub3A_75, %sub3A : vector<16xf32>
      %sub3A_77 = arith.constant 1.000000e+00 : f32
      %sub3A_78 = vector.broadcast %sub3A_77 : f32 to vector<16xf32>
      %sub3A_79 = arith.subf %sub3A_78, %sub3A_45 : vector<16xf32>
      %mul3A_80 = arith.mulf %sub3A_76, %sub3A_79 : vector<16xf32>
      %sub3A_81 = arith.constant 1.000000e+00 : f32
      %sub3A_82 = vector.broadcast %sub3A_81 : f32 to vector<16xf32>
      %sub3A_83 = arith.subf %sub3A_82, %sub3A_45 : vector<16xf32>
      %mul3A_84 = arith.mulf %sub3A, %sub3A_83 : vector<16xf32>
      %sub3A_85 = arith.constant 1.000000e+00 : f32
      %sub3A_86 = vector.broadcast %sub3A_85 : f32 to vector<16xf32>
      %sub3A_87 = arith.subf %sub3A_86, %sub3A : vector<16xf32>
      %mul3A_88 = arith.mulf %sub3A_87, %sub3A_45 : vector<16xf32>
      %mul3A_89 = arith.mulf %sub3A, %sub3A_45 : vector<16xf32>
      %gather3A = tpu.vector_load_idx %arg15[%get3A_19] : memref<10000xf32, #tpu.memory_space<vmem>>[vector<16xi32>], vector<16xf32>,
      %add3A_90 = arith.addi %multiple_of3A, %multiple_of3A_18 : i32
      %add3A_91 = vector.broadcast %add3A_90 : i32 to vector<16xi32>
      %add3A_92 = arith.addi %add3A_91, %iota3A : vector<16xi32>
      %lt3A = arith.constant 160000 : i32
      %lt3A_93 = vector.broadcast %lt3A : i32 to vector<16xi32>
      %lt3A_94 = arith.cmpi slt, %add3A_92, %lt3A_93 : vector<16xi32>
      %dma_wait3A = arith.constant 0 : i32
      %dma_wait3A_95 = arith.constant 0 : i32
      %dma_wait3A_96 = tpu.memref_slice %arg7[%dma_wait3A, %dma_wait3A_95] : memref<250000x128xf32, #tpu.memory_space<hbm>> -> memref<250000x128xf32, #tpu.memory_space<hbm>>
      tpu.wait_indirect_dma semaphore(%arg25 : memref<!tpu.dma_semaphore, #tpu.memory_space<semaphore_mem>>) src(%dma_wait3A_96 : memref<250000x128xf32, #tpu.memory_space<hbm>>) dst(%arg17 : memref<16x128xf32, #tpu.memory_space<vmem>>)
      %dma_wait3A_97 = arith.constant 0 : i32
      %dma_wait3A_98 = arith.constant 0 : i32
      %dma_wait3A_99 = tpu.memref_slice %arg7[%dma_wait3A_97, %dma_wait3A_98] : memref<250000x128xf32, #tpu.memory_space<hbm>> -> memref<250000x128xf32, #tpu.memory_space<hbm>>
      tpu.wait_indirect_dma semaphore(%arg25 : memref<!tpu.dma_semaphore, #tpu.memory_space<semaphore_mem>>) src(%dma_wait3A_99 : memref<250000x128xf32, #tpu.memory_space<hbm>>) dst(%arg18 : memref<16x128xf32, #tpu.memory_space<vmem>>)
      %dma_wait3A_100 = arith.constant 0 : i32
      %dma_wait3A_101 = arith.constant 0 : i32
      %dma_wait3A_102 = tpu.memref_slice %arg7[%dma_wait3A_100, %dma_wait3A_101] : memref<250000x128xf32, #tpu.memory_space<hbm>> -> memref<250000x128xf32, #tpu.memory_space<hbm>>
      tpu.wait_indirect_dma semaphore(%arg25 : memref<!tpu.dma_semaphore, #tpu.memory_space<semaphore_mem>>) src(%dma_wait3A_102 : memref<250000x128xf32, #tpu.memory_space<hbm>>) dst(%arg19 : memref<16x128xf32, #tpu.memory_space<vmem>>)
      %dma_wait3A_103 = arith.constant 0 : i32
      %dma_wait3A_104 = arith.constant 0 : i32
      %dma_wait3A_105 = tpu.memref_slice %arg7[%dma_wait3A_103, %dma_wait3A_104] : memref<250000x128xf32, #tpu.memory_space<hbm>> -> memref<250000x128xf32, #tpu.memory_space<hbm>>
      tpu.wait_indirect_dma semaphore(%arg25 : memref<!tpu.dma_semaphore, #tpu.memory_space<semaphore_mem>>) src(%dma_wait3A_105 : memref<250000x128xf32, #tpu.memory_space<hbm>>) dst(%arg20 : memref<16x128xf32, #tpu.memory_space<vmem>>)
      %broadcast_in_dim3A = arith.constant 0.000000e+00 : f32
      %broadcast_in_dim3A_106 = vector.broadcast %broadcast_in_dim3A : f32 to vector<16xf32>
      %scan3A_107 = arith.constant 0 : i32
      %scan3A_108 = arith.constant 0 : i32
      %scan3A_109 = arith.constant 16 : i32
      %scan3A_110 = arith.addi %scan3A_108, %scan3A_109 : i32
      %scan3A_111 = arith.constant 1 : i32
      %scan3A_112:2 = scf.for %scan3A_139 = %scan3A_108 to %scan3A_110 step %scan3A_111 iter_args(%scan3A_140 = %scan3A_107, %scan3A_141 = %broadcast_in_dim3A_106) -> (i32, vector<16xf32>)  : i32 {
        %eq3A = vector.broadcast %scan3A_140 : i32 to vector<16xi32>
        %eq3A_142 = arith.cmpi eq, %iota3A, %eq3A : vector<16xi32>
        %jit3A_143 = arith.constant 0.000000e+00 : f64
        %convert_element_type3A_144 = arith.truncf %jit3A_143 : f64 to f32
        %broadcast_in_dim3A_145 = vector.broadcast %convert_element_type3A_144 : f32 to vector<16xf32>
        %select_n3A_146 = arith.select %eq3A_142, %mul3A_80, %broadcast_in_dim3A_145 : vector<16xi1>, vector<16xf32>
        %reduce_sum3A = arith.constant true
        %reduce_sum3A_147 = vector.broadcast %reduce_sum3A : i1 to vector<16xi1>
        %reduce_sum3A_148 = tpu.scan <sum>, %select_n3A_146 masked %reduce_sum3A_147 : vector<16xf32>, vector<16xi1> -> vector<16xf32>
        %reduce_sum3A_149 = vector.extract %reduce_sum3A_148[15] : f32 from vector<16xf32>
        %jit3A_150 = arith.constant 0.000000e+00 : f64
        %convert_element_type3A_151 = arith.truncf %jit3A_150 : f64 to f32
        %broadcast_in_dim3A_152 = vector.broadcast %convert_element_type3A_151 : f32 to vector<16xf32>
        %select_n3A_153 = arith.select %eq3A_142, %mul3A_84, %broadcast_in_dim3A_152 : vector<16xi1>, vector<16xf32>
        %reduce_sum3A_154 = arith.constant true
        %reduce_sum3A_155 = vector.broadcast %reduce_sum3A_154 : i1 to vector<16xi1>
        %reduce_sum3A_156 = tpu.scan <sum>, %select_n3A_153 masked %reduce_sum3A_155 : vector<16xf32>, vector<16xi1> -> vector<16xf32>
        %reduce_sum3A_157 = vector.extract %reduce_sum3A_156[15] : f32 from vector<16xf32>
        %jit3A_158 = arith.constant 0.000000e+00 : f64
        %convert_element_type3A_159 = arith.truncf %jit3A_158 : f64 to f32
        %broadcast_in_dim3A_160 = vector.broadcast %convert_element_type3A_159 : f32 to vector<16xf32>
        %select_n3A_161 = arith.select %eq3A_142, %mul3A_88, %broadcast_in_dim3A_160 : vector<16xi1>, vector<16xf32>
        %reduce_sum3A_162 = arith.constant true
        %reduce_sum3A_163 = vector.broadcast %reduce_sum3A_162 : i1 to vector<16xi1>
        %reduce_sum3A_164 = tpu.scan <sum>, %select_n3A_161 masked %reduce_sum3A_163 : vector<16xf32>, vector<16xi1> -> vector<16xf32>
        %reduce_sum3A_165 = vector.extract %reduce_sum3A_164[15] : f32 from vector<16xf32>
        %jit3A_166 = arith.constant 0.000000e+00 : f64
        %convert_element_type3A_167 = arith.truncf %jit3A_166 : f64 to f32
        %broadcast_in_dim3A_168 = vector.broadcast %convert_element_type3A_167 : f32 to vector<16xf32>
        %select_n3A_169 = arith.select %eq3A_142, %mul3A_89, %broadcast_in_dim3A_168 : vector<16xi1>, vector<16xf32>
        %reduce_sum3A_170 = arith.constant true
        %reduce_sum3A_171 = vector.broadcast %reduce_sum3A_170 : i1 to vector<16xi1>
        %reduce_sum3A_172 = tpu.scan <sum>, %select_n3A_169 masked %reduce_sum3A_171 : vector<16xf32>, vector<16xi1> -> vector<16xf32>
        %reduce_sum3A_173 = vector.extract %reduce_sum3A_172[15] : f32 from vector<16xf32>
        %broadcast_in_dim3A_174 = arith.constant 0.000000e+00 : f32
        %broadcast_in_dim3A_175 = vector.broadcast %broadcast_in_dim3A_174 : f32 to vector<16xf32>
        %get3A_176 = arith.index_cast %scan3A_140 : i32 to index
        %get3A_177 = arith.constant 0 : index
        %get3A_178 = tpu.vector_load %arg17[%get3A_176, %get3A_177] {strides = array<i32>} : memref<16x128xf32, #tpu.memory_space<vmem>>, vector<16xf32>,
        %mul3A_179 = vector.broadcast %reduce_sum3A_149 : f32 to vector<16xf32>
        %mul3A_180 = arith.mulf %mul3A_179, %get3A_178 : vector<16xf32>
        %get3A_181 = arith.index_cast %scan3A_140 : i32 to index
        %get3A_182 = arith.constant 0 : index
        %get3A_183 = tpu.vector_load %arg18[%get3A_181, %get3A_182] {strides = array<i32>} : memref<16x128xf32, #tpu.memory_space<vmem>>, vector<16xf32>,
        %mul3A_184 = vector.broadcast %reduce_sum3A_157 : f32 to vector<16xf32>
        %mul3A_185 = arith.mulf %mul3A_184, %get3A_183 : vector<16xf32>
        %add3A_186 = arith.addf %mul3A_180, %mul3A_185 : vector<16xf32>
        %get3A_187 = arith.index_cast %scan3A_140 : i32 to index
        %get3A_188 = arith.constant 0 : index
        %get3A_189 = tpu.vector_load %arg19[%get3A_187, %get3A_188] {strides = array<i32>} : memref<16x128xf32, #tpu.memory_space<vmem>>, vector<16xf32>,
        %mul3A_190 = vector.broadcast %reduce_sum3A_165 : f32 to vector<16xf32>
        %mul3A_191 = arith.mulf %mul3A_190, %get3A_189 : vector<16xf32>
        %add3A_192 = arith.addf %add3A_186, %mul3A_191 : vector<16xf32>
        %get3A_193 = arith.index_cast %scan3A_140 : i32 to index
        %get3A_194 = arith.constant 0 : index
        %get3A_195 = tpu.vector_load %arg20[%get3A_193, %get3A_194] {strides = array<i32>} : memref<16x128xf32, #tpu.memory_space<vmem>>, vector<16xf32>,
        %mul3A_196 = vector.broadcast %reduce_sum3A_173 : f32 to vector<16xf32>
        %mul3A_197 = arith.mulf %mul3A_196, %get3A_195 : vector<16xf32>
        %add3A_198 = arith.addf %add3A_192, %mul3A_197 : vector<16xf32>
        %swap3A = arith.index_cast %scan3A_140 : i32 to index
        %swap3A_199 = arith.constant 0 : index
        %swap3A_200 = tpu.vector_load %arg21[%swap3A, %swap3A_199] {strides = array<i32>} : memref<16x128xf32, #tpu.memory_space<vmem>>, vector<16xf32>,
        tpu.vector_store %arg21[%swap3A, %swap3A_199], %add3A_198 {strides = array<i32>} : memref<16x128xf32, #tpu.memory_space<vmem>>, vector<16xf32>,
        %get3A_201 = arith.constant 0 : index
        %get3A_202 = tpu.vector_load %arg16[%get3A_201] {strides = array<i32>} : memref<128xf32, #tpu.memory_space<vmem>>, vector<16xf32>,
        %mul3A_203 = arith.mulf %add3A_198, %get3A_202 : vector<16xf32>
        %add3A_204 = arith.addf %broadcast_in_dim3A_175, %mul3A_203 : vector<16xf32>
        %get3A_205 = arith.index_cast %scan3A_140 : i32 to index
        %get3A_206 = arith.constant 16 : index
        %get3A_207 = tpu.vector_load %arg17[%get3A_205, %get3A_206] {strides = array<i32>} : memref<16x128xf32, #tpu.memory_space<vmem>>, vector<16xf32>,
        %mul3A_208 = vector.broadcast %reduce_sum3A_149 : f32 to vector<16xf32>
        %mul3A_209 = arith.mulf %mul3A_208, %get3A_207 : vector<16xf32>
        %get3A_210 = arith.index_cast %scan3A_140 : i32 to index
        %get3A_211 = arith.constant 16 : index
        %get3A_212 = tpu.vector_load %arg18[%get3A_210, %get3A_211] {strides = array<i32>} : memref<16x128xf32, #tpu.memory_space<vmem>>, vector<16xf32>,
        %mul3A_213 = vector.broadcast %reduce_sum3A_157 : f32 to vector<16xf32>
        %mul3A_214 = arith.mulf %mul3A_213, %get3A_212 : vector<16xf32>
        %add3A_215 = arith.addf %mul3A_209, %mul3A_214 : vector<16xf32>
        %get3A_216 = arith.index_cast %scan3A_140 : i32 to index
        %get3A_217 = arith.constant 16 : index
        %get3A_218 = tpu.vector_load %arg19[%get3A_216, %get3A_217] {strides = array<i32>} : memref<16x128xf32, #tpu.memory_space<vmem>>, vector<16xf32>,
        %mul3A_219 = vector.broadcast %reduce_sum3A_165 : f32 to vector<16xf32>
        %mul3A_220 = arith.mulf %mul3A_219, %get3A_218 : vector<16xf32>
        %add3A_221 = arith.addf %add3A_215, %mul3A_220 : vector<16xf32>
        %get3A_222 = arith.index_cast %scan3A_140 : i32 to index
        %get3A_223 = arith.constant 16 : index
        %get3A_224 = tpu.vector_load %arg20[%get3A_222, %get3A_223] {strides = array<i32>} : memref<16x128xf32, #tpu.memory_space<vmem>>, vector<16xf32>,
        %mul3A_225 = vector.broadcast %reduce_sum3A_173 : f32 to vector<16xf32>
        %mul3A_226 = arith.mulf %mul3A_225, %get3A_224 : vector<16xf32>
        %add3A_227 = arith.addf %add3A_221, %mul3A_226 : vector<16xf32>
        %swap3A_228 = arith.index_cast %scan3A_140 : i32 to index
        %swap3A_229 = arith.constant 16 : index
        %swap3A_230 = tpu.vector_load %arg21[%swap3A_228, %swap3A_229] {strides = array<i32>} : memref<16x128xf32, #tpu.memory_space<vmem>>, vector<16xf32>,
        tpu.vector_store %arg21[%swap3A_228, %swap3A_229], %add3A_227 {strides = array<i32>} : memref<16x128xf32, #tpu.memory_space<vmem>>, vector<16xf32>,
        %get3A_231 = arith.constant 16 : index
        %get3A_232 = tpu.vector_load %arg16[%get3A_231] {strides = array<i32>} : memref<128xf32, #tpu.memory_space<vmem>>, vector<16xf32>,
        %mul3A_233 = arith.mulf %add3A_227, %get3A_232 : vector<16xf32>
        %add3A_234 = arith.addf %add3A_204, %mul3A_233 : vector<16xf32>
        %get3A_235 = arith.index_cast %scan3A_140 : i32 to index
        %get3A_236 = arith.constant 32 : index
        %get3A_237 = tpu.vector_load %arg17[%get3A_235, %get3A_236] {strides = array<i32>} : memref<16x128xf32, #tpu.memory_space<vmem>>, vector<16xf32>,
        %mul3A_238 = vector.broadcast %reduce_sum3A_149 : f32 to vector<16xf32>
        %mul3A_239 = arith.mulf %mul3A_238, %get3A_237 : vector<16xf32>
        %get3A_240 = arith.index_cast %scan3A_140 : i32 to index
        %get3A_241 = arith.constant 32 : index
        %get3A_242 = tpu.vector_load %arg18[%get3A_240, %get3A_241] {strides = array<i32>} : memref<16x128xf32, #tpu.memory_space<vmem>>, vector<16xf32>,
        %mul3A_243 = vector.broadcast %reduce_sum3A_157 : f32 to vector<16xf32>
        %mul3A_244 = arith.mulf %mul3A_243, %get3A_242 : vector<16xf32>
        %add3A_245 = arith.addf %mul3A_239, %mul3A_244 : vector<16xf32>
        %get3A_246 = arith.index_cast %scan3A_140 : i32 to index
        %get3A_247 = arith.constant 32 : index
        %get3A_248 = tpu.vector_load %arg19[%get3A_246, %get3A_247] {strides = array<i32>} : memref<16x128xf32, #tpu.memory_space<vmem>>, vector<16xf32>,
        %mul3A_249 = vector.broadcast %reduce_sum3A_165 : f32 to vector<16xf32>
        %mul3A_250 = arith.mulf %mul3A_249, %get3A_248 : vector<16xf32>
        %add3A_251 = arith.addf %add3A_245, %mul3A_250 : vector<16xf32>
        %get3A_252 = arith.index_cast %scan3A_140 : i32 to index
        %get3A_253 = arith.constant 32 : index
        %get3A_254 = tpu.vector_load %arg20[%get3A_252, %get3A_253] {strides = array<i32>} : memref<16x128xf32, #tpu.memory_space<vmem>>, vector<16xf32>,
        %mul3A_255 = vector.broadcast %reduce_sum3A_173 : f32 to vector<16xf32>
        %mul3A_256 = arith.mulf %mul3A_255, %get3A_254 : vector<16xf32>
        %add3A_257 = arith.addf %add3A_251, %mul3A_256 : vector<16xf32>
        %swap3A_258 = arith.index_cast %scan3A_140 : i32 to index
        %swap3A_259 = arith.constant 32 : index
        %swap3A_260 = tpu.vector_load %arg21[%swap3A_258, %swap3A_259] {strides = array<i32>} : memref<16x128xf32, #tpu.memory_space<vmem>>, vector<16xf32>,
        tpu.vector_store %arg21[%swap3A_258, %swap3A_259], %add3A_257 {strides = array<i32>} : memref<16x128xf32, #tpu.memory_space<vmem>>, vector<16xf32>,
        %get3A_261 = arith.constant 32 : index
        %get3A_262 = tpu.vector_load %arg16[%get3A_261] {strides = array<i32>} : memref<128xf32, #tpu.memory_space<vmem>>, vector<16xf32>,
        %mul3A_263 = arith.mulf %add3A_257, %get3A_262 : vector<16xf32>
        %add3A_264 = arith.addf %add3A_234, %mul3A_263 : vector<16xf32>
        %get3A_265 = arith.index_cast %scan3A_140 : i32 to index
        %get3A_266 = arith.constant 48 : index
        %get3A_267 = tpu.vector_load %arg17[%get3A_265, %get3A_266] {strides = array<i32>} : memref<16x128xf32, #tpu.memory_space<vmem>>, vector<16xf32>,
        %mul3A_268 = vector.broadcast %reduce_sum3A_149 : f32 to vector<16xf32>
        %mul3A_269 = arith.mulf %mul3A_268, %get3A_267 : vector<16xf32>
        %get3A_270 = arith.index_cast %scan3A_140 : i32 to index
        %get3A_271 = arith.constant 48 : index
        %get3A_272 = tpu.vector_load %arg18[%get3A_270, %get3A_271] {strides = array<i32>} : memref<16x128xf32, #tpu.memory_space<vmem>>, vector<16xf32>,
        %mul3A_273 = vector.broadcast %reduce_sum3A_157 : f32 to vector<16xf32>
        %mul3A_274 = arith.mulf %mul3A_273, %get3A_272 : vector<16xf32>
        %add3A_275 = arith.addf %mul3A_269, %mul3A_274 : vector<16xf32>
        %get3A_276 = arith.index_cast %scan3A_140 : i32 to index
        %get3A_277 = arith.constant 48 : index
        %get3A_278 = tpu.vector_load %arg19[%get3A_276, %get3A_277] {strides = array<i32>} : memref<16x128xf32, #tpu.memory_space<vmem>>, vector<16xf32>,
        %mul3A_279 = vector.broadcast %reduce_sum3A_165 : f32 to vector<16xf32>
        %mul3A_280 = arith.mulf %mul3A_279, %get3A_278 : vector<16xf32>
        %add3A_281 = arith.addf %add3A_275, %mul3A_280 : vector<16xf32>
        %get3A_282 = arith.index_cast %scan3A_140 : i32 to index
        %get3A_283 = arith.constant 48 : index
        %get3A_284 = tpu.vector_load %arg20[%get3A_282, %get3A_283] {strides = array<i32>} : memref<16x128xf32, #tpu.memory_space<vmem>>, vector<16xf32>,
        %mul3A_285 = vector.broadcast %reduce_sum3A_173 : f32 to vector<16xf32>
        %mul3A_286 = arith.mulf %mul3A_285, %get3A_284 : vector<16xf32>
        %add3A_287 = arith.addf %add3A_281, %mul3A_286 : vector<16xf32>
        %swap3A_288 = arith.index_cast %scan3A_140 : i32 to index
        %swap3A_289 = arith.constant 48 : index
        %swap3A_290 = tpu.vector_load %arg21[%swap3A_288, %swap3A_289] {strides = array<i32>} : memref<16x128xf32, #tpu.memory_space<vmem>>, vector<16xf32>,
        tpu.vector_store %arg21[%swap3A_288, %swap3A_289], %add3A_287 {strides = array<i32>} : memref<16x128xf32, #tpu.memory_space<vmem>>, vector<16xf32>,
        %get3A_291 = arith.constant 48 : index
        %get3A_292 = tpu.vector_load %arg16[%get3A_291] {strides = array<i32>} : memref<128xf32, #tpu.memory_space<vmem>>, vector<16xf32>,
        %mul3A_293 = arith.mulf %add3A_287, %get3A_292 : vector<16xf32>
        %add3A_294 = arith.addf %add3A_264, %mul3A_293 : vector<16xf32>
        %get3A_295 = arith.index_cast %scan3A_140 : i32 to index
        %get3A_296 = arith.constant 64 : index
        %get3A_297 = tpu.vector_load %arg17[%get3A_295, %get3A_296] {strides = array<i32>} : memref<16x128xf32, #tpu.memory_space<vmem>>, vector<16xf32>,
        %mul3A_298 = vector.broadcast %reduce_sum3A_149 : f32 to vector<16xf32>
        %mul3A_299 = arith.mulf %mul3A_298, %get3A_297 : vector<16xf32>
        %get3A_300 = arith.index_cast %scan3A_140 : i32 to index
        %get3A_301 = arith.constant 64 : index
        %get3A_302 = tpu.vector_load %arg18[%get3A_300, %get3A_301] {strides = array<i32>} : memref<16x128xf32, #tpu.memory_space<vmem>>, vector<16xf32>,
        %mul3A_303 = vector.broadcast %reduce_sum3A_157 : f32 to vector<16xf32>
        %mul3A_304 = arith.mulf %mul3A_303, %get3A_302 : vector<16xf32>
        %add3A_305 = arith.addf %mul3A_299, %mul3A_304 : vector<16xf32>
        %get3A_306 = arith.index_cast %scan3A_140 : i32 to index
        %get3A_307 = arith.constant 64 : index
        %get3A_308 = tpu.vector_load %arg19[%get3A_306, %get3A_307] {strides = array<i32>} : memref<16x128xf32, #tpu.memory_space<vmem>>, vector<16xf32>,
        %mul3A_309 = vector.broadcast %reduce_sum3A_165 : f32 to vector<16xf32>
        %mul3A_310 = arith.mulf %mul3A_309, %get3A_308 : vector<16xf32>
        %add3A_311 = arith.addf %add3A_305, %mul3A_310 : vector<16xf32>
        %get3A_312 = arith.index_cast %scan3A_140 : i32 to index
        %get3A_313 = arith.constant 64 : index
        %get3A_314 = tpu.vector_load %arg20[%get3A_312, %get3A_313] {strides = array<i32>} : memref<16x128xf32, #tpu.memory_space<vmem>>, vector<16xf32>,
        %mul3A_315 = vector.broadcast %reduce_sum3A_173 : f32 to vector<16xf32>
        %mul3A_316 = arith.mulf %mul3A_315, %get3A_314 : vector<16xf32>
        %add3A_317 = arith.addf %add3A_311, %mul3A_316 : vector<16xf32>
        %swap3A_318 = arith.index_cast %scan3A_140 : i32 to index
        %swap3A_319 = arith.constant 64 : index
        %swap3A_320 = tpu.vector_load %arg21[%swap3A_318, %swap3A_319] {strides = array<i32>} : memref<16x128xf32, #tpu.memory_space<vmem>>, vector<16xf32>,
        tpu.vector_store %arg21[%swap3A_318, %swap3A_319], %add3A_317 {strides = array<i32>} : memref<16x128xf32, #tpu.memory_space<vmem>>, vector<16xf32>,
        %get3A_321 = arith.constant 64 : index
        %get3A_322 = tpu.vector_load %arg16[%get3A_321] {strides = array<i32>} : memref<128xf32, #tpu.memory_space<vmem>>, vector<16xf32>,
        %mul3A_323 = arith.mulf %add3A_317, %get3A_322 : vector<16xf32>
        %add3A_324 = arith.addf %add3A_294, %mul3A_323 : vector<16xf32>
        %get3A_325 = arith.index_cast %scan3A_140 : i32 to index
        %get3A_326 = arith.constant 80 : index
        %get3A_327 = tpu.vector_load %arg17[%get3A_325, %get3A_326] {strides = array<i32>} : memref<16x128xf32, #tpu.memory_space<vmem>>, vector<16xf32>,
        %mul3A_328 = vector.broadcast %reduce_sum3A_149 : f32 to vector<16xf32>
        %mul3A_329 = arith.mulf %mul3A_328, %get3A_327 : vector<16xf32>
        %get3A_330 = arith.index_cast %scan3A_140 : i32 to index
        %get3A_331 = arith.constant 80 : index
        %get3A_332 = tpu.vector_load %arg18[%get3A_330, %get3A_331] {strides = array<i32>} : memref<16x128xf32, #tpu.memory_space<vmem>>, vector<16xf32>,
        %mul3A_333 = vector.broadcast %reduce_sum3A_157 : f32 to vector<16xf32>
        %mul3A_334 = arith.mulf %mul3A_333, %get3A_332 : vector<16xf32>
        %add3A_335 = arith.addf %mul3A_329, %mul3A_334 : vector<16xf32>
        %get3A_336 = arith.index_cast %scan3A_140 : i32 to index
        %get3A_337 = arith.constant 80 : index
        %get3A_338 = tpu.vector_load %arg19[%get3A_336, %get3A_337] {strides = array<i32>} : memref<16x128xf32, #tpu.memory_space<vmem>>, vector<16xf32>,
        %mul3A_339 = vector.broadcast %reduce_sum3A_165 : f32 to vector<16xf32>
        %mul3A_340 = arith.mulf %mul3A_339, %get3A_338 : vector<16xf32>
        %add3A_341 = arith.addf %add3A_335, %mul3A_340 : vector<16xf32>
        %get3A_342 = arith.index_cast %scan3A_140 : i32 to index
        %get3A_343 = arith.constant 80 : index
        %get3A_344 = tpu.vector_load %arg20[%get3A_342, %get3A_343] {strides = array<i32>} : memref<16x128xf32, #tpu.memory_space<vmem>>, vector<16xf32>,
        %mul3A_345 = vector.broadcast %reduce_sum3A_173 : f32 to vector<16xf32>
        %mul3A_346 = arith.mulf %mul3A_345, %get3A_344 : vector<16xf32>
        %add3A_347 = arith.addf %add3A_341, %mul3A_346 : vector<16xf32>
        %swap3A_348 = arith.index_cast %scan3A_140 : i32 to index
        %swap3A_349 = arith.constant 80 : index
        %swap3A_350 = tpu.vector_load %arg21[%swap3A_348, %swap3A_349] {strides = array<i32>} : memref<16x128xf32, #tpu.memory_space<vmem>>, vector<16xf32>,
        tpu.vector_store %arg21[%swap3A_348, %swap3A_349], %add3A_347 {strides = array<i32>} : memref<16x128xf32, #tpu.memory_space<vmem>>, vector<16xf32>,
        %get3A_351 = arith.constant 80 : index
        %get3A_352 = tpu.vector_load %arg16[%get3A_351] {strides = array<i32>} : memref<128xf32, #tpu.memory_space<vmem>>, vector<16xf32>,
        %mul3A_353 = arith.mulf %add3A_347, %get3A_352 : vector<16xf32>
        %add3A_354 = arith.addf %add3A_324, %mul3A_353 : vector<16xf32>
        %get3A_355 = arith.index_cast %scan3A_140 : i32 to index
        %get3A_356 = arith.constant 96 : index
        %get3A_357 = tpu.vector_load %arg17[%get3A_355, %get3A_356] {strides = array<i32>} : memref<16x128xf32, #tpu.memory_space<vmem>>, vector<16xf32>,
        %mul3A_358 = vector.broadcast %reduce_sum3A_149 : f32 to vector<16xf32>
        %mul3A_359 = arith.mulf %mul3A_358, %get3A_357 : vector<16xf32>
        %get3A_360 = arith.index_cast %scan3A_140 : i32 to index
        %get3A_361 = arith.constant 96 : index
        %get3A_362 = tpu.vector_load %arg18[%get3A_360, %get3A_361] {strides = array<i32>} : memref<16x128xf32, #tpu.memory_space<vmem>>, vector<16xf32>,
        %mul3A_363 = vector.broadcast %reduce_sum3A_157 : f32 to vector<16xf32>
        %mul3A_364 = arith.mulf %mul3A_363, %get3A_362 : vector<16xf32>
        %add3A_365 = arith.addf %mul3A_359, %mul3A_364 : vector<16xf32>
        %get3A_366 = arith.index_cast %scan3A_140 : i32 to index
        %get3A_367 = arith.constant 96 : index
        %get3A_368 = tpu.vector_load %arg19[%get3A_366, %get3A_367] {strides = array<i32>} : memref<16x128xf32, #tpu.memory_space<vmem>>, vector<16xf32>,
        %mul3A_369 = vector.broadcast %reduce_sum3A_165 : f32 to vector<16xf32>
        %mul3A_370 = arith.mulf %mul3A_369, %get3A_368 : vector<16xf32>
        %add3A_371 = arith.addf %add3A_365, %mul3A_370 : vector<16xf32>
        %get3A_372 = arith.index_cast %scan3A_140 : i32 to index
        %get3A_373 = arith.constant 96 : index
        %get3A_374 = tpu.vector_load %arg20[%get3A_372, %get3A_373] {strides = array<i32>} : memref<16x128xf32, #tpu.memory_space<vmem>>, vector<16xf32>,
        %mul3A_375 = vector.broadcast %reduce_sum3A_173 : f32 to vector<16xf32>
        %mul3A_376 = arith.mulf %mul3A_375, %get3A_374 : vector<16xf32>
        %add3A_377 = arith.addf %add3A_371, %mul3A_376 : vector<16xf32>
        %swap3A_378 = arith.index_cast %scan3A_140 : i32 to index
        %swap3A_379 = arith.constant 96 : index
        %swap3A_380 = tpu.vector_load %arg21[%swap3A_378, %swap3A_379] {strides = array<i32>} : memref<16x128xf32, #tpu.memory_space<vmem>>, vector<16xf32>,
        tpu.vector_store %arg21[%swap3A_378, %swap3A_379], %add3A_377 {strides = array<i32>} : memref<16x128xf32, #tpu.memory_space<vmem>>, vector<16xf32>,
        %get3A_381 = arith.constant 96 : index
        %get3A_382 = tpu.vector_load %arg16[%get3A_381] {strides = array<i32>} : memref<128xf32, #tpu.memory_space<vmem>>, vector<16xf32>,
        %mul3A_383 = arith.mulf %add3A_377, %get3A_382 : vector<16xf32>
        %add3A_384 = arith.addf %add3A_354, %mul3A_383 : vector<16xf32>
        %get3A_385 = arith.index_cast %scan3A_140 : i32 to index
        %get3A_386 = arith.constant 112 : index
        %get3A_387 = tpu.vector_load %arg17[%get3A_385, %get3A_386] {strides = array<i32>} : memref<16x128xf32, #tpu.memory_space<vmem>>, vector<16xf32>,
        %mul3A_388 = vector.broadcast %reduce_sum3A_149 : f32 to vector<16xf32>
        %mul3A_389 = arith.mulf %mul3A_388, %get3A_387 : vector<16xf32>
        %get3A_390 = arith.index_cast %scan3A_140 : i32 to index
        %get3A_391 = arith.constant 112 : index
        %get3A_392 = tpu.vector_load %arg18[%get3A_390, %get3A_391] {strides = array<i32>} : memref<16x128xf32, #tpu.memory_space<vmem>>, vector<16xf32>,
        %mul3A_393 = vector.broadcast %reduce_sum3A_157 : f32 to vector<16xf32>
        %mul3A_394 = arith.mulf %mul3A_393, %get3A_392 : vector<16xf32>
        %add3A_395 = arith.addf %mul3A_389, %mul3A_394 : vector<16xf32>
        %get3A_396 = arith.index_cast %scan3A_140 : i32 to index
        %get3A_397 = arith.constant 112 : index
        %get3A_398 = tpu.vector_load %arg19[%get3A_396, %get3A_397] {strides = array<i32>} : memref<16x128xf32, #tpu.memory_space<vmem>>, vector<16xf32>,
        %mul3A_399 = vector.broadcast %reduce_sum3A_165 : f32 to vector<16xf32>
        %mul3A_400 = arith.mulf %mul3A_399, %get3A_398 : vector<16xf32>
        %add3A_401 = arith.addf %add3A_395, %mul3A_400 : vector<16xf32>
        %get3A_402 = arith.index_cast %scan3A_140 : i32 to index
        %get3A_403 = arith.constant 112 : index
        %get3A_404 = tpu.vector_load %arg20[%get3A_402, %get3A_403] {strides = array<i32>} : memref<16x128xf32, #tpu.memory_space<vmem>>, vector<16xf32>,
        %mul3A_405 = vector.broadcast %reduce_sum3A_173 : f32 to vector<16xf32>
        %mul3A_406 = arith.mulf %mul3A_405, %get3A_404 : vector<16xf32>
        %add3A_407 = arith.addf %add3A_401, %mul3A_406 : vector<16xf32>
        %swap3A_408 = arith.index_cast %scan3A_140 : i32 to index
        %swap3A_409 = arith.constant 112 : index
        %swap3A_410 = tpu.vector_load %arg21[%swap3A_408, %swap3A_409] {strides = array<i32>} : memref<16x128xf32, #tpu.memory_space<vmem>>, vector<16xf32>,
        tpu.vector_store %arg21[%swap3A_408, %swap3A_409], %add3A_407 {strides = array<i32>} : memref<16x128xf32, #tpu.memory_space<vmem>>, vector<16xf32>,
        %get3A_411 = arith.constant 112 : index
        %get3A_412 = tpu.vector_load %arg16[%get3A_411] {strides = array<i32>} : memref<128xf32, #tpu.memory_space<vmem>>, vector<16xf32>,
        %mul3A_413 = arith.mulf %add3A_407, %get3A_412 : vector<16xf32>
        %add3A_414 = arith.addf %add3A_384, %mul3A_413 : vector<16xf32>
        %add3A_415 = arith.constant 1 : i32
        %add3A_416 = arith.addi %scan3A_140, %add3A_415 : i32
        %reduce_sum3A_417 = arith.constant true
        %reduce_sum3A_418 = vector.broadcast %reduce_sum3A_417 : i1 to vector<16xi1>
        %reduce_sum3A_419 = tpu.scan <sum>, %add3A_414 masked %reduce_sum3A_418 : vector<16xf32>, vector<16xi1> -> vector<16xf32>
        %reduce_sum3A_420 = vector.extract %reduce_sum3A_419[15] : f32 from vector<16xf32>
        %broadcast_in_dim3A_421 = vector.broadcast %reduce_sum3A_420 : f32 to vector<16xf32>
        %select_n3A_422 = arith.select %eq3A_142, %broadcast_in_dim3A_421, %scan3A_141 : vector<16xi1>, vector<16xf32>
        scf.yield %add3A_416, %select_n3A_422 : i32, vector<16xf32>
      }
      %scan3A_113 = arith.constant 16 : i32
      %add3A_114 = arith.addf %scan3A_112#1, %gather3A : vector<16xf32>
      %gt3A = arith.constant 0.000000e+00 : f32
      %gt3A_115 = vector.broadcast %gt3A : f32 to vector<16xf32>
      %gt3A_116 = arith.cmpf ogt, %add3A_114, %gt3A_115 : vector<16xf32>
      %mul3A_117 = arith.constant 2.000000e-01 : f32
      %mul3A_118 = vector.broadcast %mul3A_117 : f32 to vector<16xf32>
      %mul3A_119 = arith.mulf %mul3A_118, %add3A_114 : vector<16xf32>
      %select_n3A = arith.select %gt3A_116, %add3A_114, %mul3A_119 : vector<16xi1>, vector<16xf32>
      %exp3A = math.exp %select_n3A : vector<16xf32>
      %jit3A = arith.constant 0.000000e+00 : f64
      %convert_element_type3A_120 = arith.truncf %jit3A : f64 to f32
      %broadcast_in_dim3A_121 = vector.broadcast %convert_element_type3A_120 : f32 to vector<16xf32>
      %select_n3A_122 = arith.select %lt3A_94, %exp3A, %broadcast_in_dim3A_121 : vector<16xi1>, vector<16xf32>
      %and3A = arith.constant 127 : i32
      %and3A_123 = vector.broadcast %and3A : i32 to vector<16xi32>
      %and3A_124 = arith.andi %get3A_19, %and3A_123 : vector<16xi32>
      %scan3A_125 = arith.constant 0 : i32
      %scan3A_126 = arith.constant 0 : i32
      %scan3A_127 = arith.constant 16 : i32
      %scan3A_128 = arith.addi %scan3A_126, %scan3A_127 : i32
      %scan3A_129 = arith.constant 1 : i32
      %scan3A_130 = scf.for %scan3A_139 = %scan3A_126 to %scan3A_128 step %scan3A_129 iter_args(%scan3A_140 = %scan3A_125) -> (i32)  : i32 {
        %eq3A = vector.broadcast %scan3A_140 : i32 to vector<16xi32>
        %eq3A_141 = arith.cmpi eq, %iota3A, %eq3A : vector<16xi32>
        %jit3A_142 = arith.constant 0.000000e+00 : f64
        %convert_element_type3A_143 = arith.truncf %jit3A_142 : f64 to f32
        %broadcast_in_dim3A_144 = vector.broadcast %convert_element_type3A_143 : f32 to vector<16xf32>
        %select_n3A_145 = arith.select %eq3A_141, %select_n3A_122, %broadcast_in_dim3A_144 : vector<16xi1>, vector<16xf32>
        %reduce_sum3A = arith.constant true
        %reduce_sum3A_146 = vector.broadcast %reduce_sum3A : i1 to vector<16xi1>
        %reduce_sum3A_147 = tpu.scan <sum>, %select_n3A_145 masked %reduce_sum3A_146 : vector<16xf32>, vector<16xi1> -> vector<16xf32>
        %reduce_sum3A_148 = vector.extract %reduce_sum3A_147[15] : f32 from vector<16xf32>
        %jit3A_149 = arith.constant 0 : i32
        %broadcast_in_dim3A_150 = vector.broadcast %jit3A_149 : i32 to vector<16xi32>
        %select_n3A_151 = arith.select %eq3A_141, %and3A_124, %broadcast_in_dim3A_150 : vector<16xi1>, vector<16xi32>
        %reduce_sum3A_152 = arith.constant true
        %reduce_sum3A_153 = vector.broadcast %reduce_sum3A_152 : i1 to vector<16xi1>
        %reduce_sum3A_154 = tpu.scan <sum>, %select_n3A_151 masked %reduce_sum3A_153 : vector<16xi32>, vector<16xi1> -> vector<16xi32>
        %reduce_sum3A_155 = vector.extract %reduce_sum3A_154[15] : i32 from vector<16xi32>
        %get3A_156 = arith.index_cast %scan3A_140 : i32 to index
        %get3A_157 = arith.constant 0 : index
        %get3A_158 = tpu.vector_load %arg21[%get3A_156, %get3A_157] {strides = array<i32>} : memref<16x128xf32, #tpu.memory_space<vmem>>, vector<16xf32>,
        %mul3A_159 = vector.broadcast %reduce_sum3A_148 : f32 to vector<16xf32>
        %mul3A_160 = arith.mulf %mul3A_159, %get3A_158 : vector<16xf32>
        %swap3A = arith.index_cast %scan3A_140 : i32 to index
        %swap3A_161 = arith.constant 0 : index
        %swap3A_162 = tpu.vector_load %arg22[%swap3A, %swap3A_161] {strides = array<i32>} : memref<16x128xf32, #tpu.memory_space<vmem>>, vector<16xf32>,
        tpu.vector_store %arg22[%swap3A, %swap3A_161], %mul3A_160 {strides = array<i32>} : memref<16x128xf32, #tpu.memory_space<vmem>>, vector<16xf32>,
        %add3A_163 = arith.constant 0 : i32
        %add3A_164 = vector.broadcast %add3A_163 : i32 to vector<16xi32>
        %add3A_165 = arith.addi %iota3A, %add3A_164 : vector<16xi32>
        %eq3A_166 = vector.broadcast %reduce_sum3A_155 : i32 to vector<16xi32>
        %eq3A_167 = arith.cmpi eq, %add3A_165, %eq3A_166 : vector<16xi32>
        %jit3A_168 = arith.constant 0.000000e+00 : f64
        %convert_element_type3A_169 = arith.truncf %jit3A_168 : f64 to f32
        %broadcast_in_dim3A_170 = vector.broadcast %reduce_sum3A_148 : f32 to vector<16xf32>
        %broadcast_in_dim3A_171 = vector.broadcast %convert_element_type3A_169 : f32 to vector<16xf32>
        %select_n3A_172 = arith.select %eq3A_167, %broadcast_in_dim3A_170, %broadcast_in_dim3A_171 : vector<16xi1>, vector<16xf32>
        %swap3A_173 = arith.index_cast %scan3A_140 : i32 to index
        %swap3A_174 = arith.constant 0 : index
        %swap3A_175 = tpu.vector_load %arg23[%swap3A_173, %swap3A_174] {strides = array<i32>} : memref<16x128xf32, #tpu.memory_space<vmem>>, vector<16xf32>,
        tpu.vector_store %arg23[%swap3A_173, %swap3A_174], %select_n3A_172 {strides = array<i32>} : memref<16x128xf32, #tpu.memory_space<vmem>>, vector<16xf32>,
        %get3A_176 = arith.index_cast %scan3A_140 : i32 to index
        %get3A_177 = arith.constant 16 : index
        %get3A_178 = tpu.vector_load %arg21[%get3A_176, %get3A_177] {strides = array<i32>} : memref<16x128xf32, #tpu.memory_space<vmem>>, vector<16xf32>,
        %mul3A_179 = vector.broadcast %reduce_sum3A_148 : f32 to vector<16xf32>
        %mul3A_180 = arith.mulf %mul3A_179, %get3A_178 : vector<16xf32>
        %swap3A_181 = arith.index_cast %scan3A_140 : i32 to index
        %swap3A_182 = arith.constant 16 : index
        %swap3A_183 = tpu.vector_load %arg22[%swap3A_181, %swap3A_182] {strides = array<i32>} : memref<16x128xf32, #tpu.memory_space<vmem>>, vector<16xf32>,
        tpu.vector_store %arg22[%swap3A_181, %swap3A_182], %mul3A_180 {strides = array<i32>} : memref<16x128xf32, #tpu.memory_space<vmem>>, vector<16xf32>,
        %add3A_184 = arith.constant 16 : i32
        %add3A_185 = vector.broadcast %add3A_184 : i32 to vector<16xi32>
        %add3A_186 = arith.addi %iota3A, %add3A_185 : vector<16xi32>
        %eq3A_187 = vector.broadcast %reduce_sum3A_155 : i32 to vector<16xi32>
        %eq3A_188 = arith.cmpi eq, %add3A_186, %eq3A_187 : vector<16xi32>
        %jit3A_189 = arith.constant 0.000000e+00 : f64
        %convert_element_type3A_190 = arith.truncf %jit3A_189 : f64 to f32
        %broadcast_in_dim3A_191 = vector.broadcast %reduce_sum3A_148 : f32 to vector<16xf32>
        %broadcast_in_dim3A_192 = vector.broadcast %convert_element_type3A_190 : f32 to vector<16xf32>
        %select_n3A_193 = arith.select %eq3A_188, %broadcast_in_dim3A_191, %broadcast_in_dim3A_192 : vector<16xi1>, vector<16xf32>
        %swap3A_194 = arith.index_cast %scan3A_140 : i32 to index
        %swap3A_195 = arith.constant 16 : index
        %swap3A_196 = tpu.vector_load %arg23[%swap3A_194, %swap3A_195] {strides = array<i32>} : memref<16x128xf32, #tpu.memory_space<vmem>>, vector<16xf32>,
        tpu.vector_store %arg23[%swap3A_194, %swap3A_195], %select_n3A_193 {strides = array<i32>} : memref<16x128xf32, #tpu.memory_space<vmem>>, vector<16xf32>,
        %get3A_197 = arith.index_cast %scan3A_140 : i32 to index
        %get3A_198 = arith.constant 32 : index
        %get3A_199 = tpu.vector_load %arg21[%get3A_197, %get3A_198] {strides = array<i32>} : memref<16x128xf32, #tpu.memory_space<vmem>>, vector<16xf32>,
        %mul3A_200 = vector.broadcast %reduce_sum3A_148 : f32 to vector<16xf32>
        %mul3A_201 = arith.mulf %mul3A_200, %get3A_199 : vector<16xf32>
        %swap3A_202 = arith.index_cast %scan3A_140 : i32 to index
        %swap3A_203 = arith.constant 32 : index
        %swap3A_204 = tpu.vector_load %arg22[%swap3A_202, %swap3A_203] {strides = array<i32>} : memref<16x128xf32, #tpu.memory_space<vmem>>, vector<16xf32>,
        tpu.vector_store %arg22[%swap3A_202, %swap3A_203], %mul3A_201 {strides = array<i32>} : memref<16x128xf32, #tpu.memory_space<vmem>>, vector<16xf32>,
        %add3A_205 = arith.constant 32 : i32
        %add3A_206 = vector.broadcast %add3A_205 : i32 to vector<16xi32>
        %add3A_207 = arith.addi %iota3A, %add3A_206 : vector<16xi32>
        %eq3A_208 = vector.broadcast %reduce_sum3A_155 : i32 to vector<16xi32>
        %eq3A_209 = arith.cmpi eq, %add3A_207, %eq3A_208 : vector<16xi32>
        %jit3A_210 = arith.constant 0.000000e+00 : f64
        %convert_element_type3A_211 = arith.truncf %jit3A_210 : f64 to f32
        %broadcast_in_dim3A_212 = vector.broadcast %reduce_sum3A_148 : f32 to vector<16xf32>
        %broadcast_in_dim3A_213 = vector.broadcast %convert_element_type3A_211 : f32 to vector<16xf32>
        %select_n3A_214 = arith.select %eq3A_209, %broadcast_in_dim3A_212, %broadcast_in_dim3A_213 : vector<16xi1>, vector<16xf32>
        %swap3A_215 = arith.index_cast %scan3A_140 : i32 to index
        %swap3A_216 = arith.constant 32 : index
        %swap3A_217 = tpu.vector_load %arg23[%swap3A_215, %swap3A_216] {strides = array<i32>} : memref<16x128xf32, #tpu.memory_space<vmem>>, vector<16xf32>,
        tpu.vector_store %arg23[%swap3A_215, %swap3A_216], %select_n3A_214 {strides = array<i32>} : memref<16x128xf32, #tpu.memory_space<vmem>>, vector<16xf32>,
        %get3A_218 = arith.index_cast %scan3A_140 : i32 to index
        %get3A_219 = arith.constant 48 : index
        %get3A_220 = tpu.vector_load %arg21[%get3A_218, %get3A_219] {strides = array<i32>} : memref<16x128xf32, #tpu.memory_space<vmem>>, vector<16xf32>,
        %mul3A_221 = vector.broadcast %reduce_sum3A_148 : f32 to vector<16xf32>
        %mul3A_222 = arith.mulf %mul3A_221, %get3A_220 : vector<16xf32>
        %swap3A_223 = arith.index_cast %scan3A_140 : i32 to index
        %swap3A_224 = arith.constant 48 : index
        %swap3A_225 = tpu.vector_load %arg22[%swap3A_223, %swap3A_224] {strides = array<i32>} : memref<16x128xf32, #tpu.memory_space<vmem>>, vector<16xf32>,
        tpu.vector_store %arg22[%swap3A_223, %swap3A_224], %mul3A_222 {strides = array<i32>} : memref<16x128xf32, #tpu.memory_space<vmem>>, vector<16xf32>,
        %add3A_226 = arith.constant 48 : i32
        %add3A_227 = vector.broadcast %add3A_226 : i32 to vector<16xi32>
        %add3A_228 = arith.addi %iota3A, %add3A_227 : vector<16xi32>
        %eq3A_229 = vector.broadcast %reduce_sum3A_155 : i32 to vector<16xi32>
        %eq3A_230 = arith.cmpi eq, %add3A_228, %eq3A_229 : vector<16xi32>
        %jit3A_231 = arith.constant 0.000000e+00 : f64
        %convert_element_type3A_232 = arith.truncf %jit3A_231 : f64 to f32
        %broadcast_in_dim3A_233 = vector.broadcast %reduce_sum3A_148 : f32 to vector<16xf32>
        %broadcast_in_dim3A_234 = vector.broadcast %convert_element_type3A_232 : f32 to vector<16xf32>
        %select_n3A_235 = arith.select %eq3A_230, %broadcast_in_dim3A_233, %broadcast_in_dim3A_234 : vector<16xi1>, vector<16xf32>
        %swap3A_236 = arith.index_cast %scan3A_140 : i32 to index
        %swap3A_237 = arith.constant 48 : index
        %swap3A_238 = tpu.vector_load %arg23[%swap3A_236, %swap3A_237] {strides = array<i32>} : memref<16x128xf32, #tpu.memory_space<vmem>>, vector<16xf32>,
        tpu.vector_store %arg23[%swap3A_236, %swap3A_237], %select_n3A_235 {strides = array<i32>} : memref<16x128xf32, #tpu.memory_space<vmem>>, vector<16xf32>,
        %get3A_239 = arith.index_cast %scan3A_140 : i32 to index
        %get3A_240 = arith.constant 64 : index
        %get3A_241 = tpu.vector_load %arg21[%get3A_239, %get3A_240] {strides = array<i32>} : memref<16x128xf32, #tpu.memory_space<vmem>>, vector<16xf32>,
        %mul3A_242 = vector.broadcast %reduce_sum3A_148 : f32 to vector<16xf32>
        %mul3A_243 = arith.mulf %mul3A_242, %get3A_241 : vector<16xf32>
        %swap3A_244 = arith.index_cast %scan3A_140 : i32 to index
        %swap3A_245 = arith.constant 64 : index
        %swap3A_246 = tpu.vector_load %arg22[%swap3A_244, %swap3A_245] {strides = array<i32>} : memref<16x128xf32, #tpu.memory_space<vmem>>, vector<16xf32>,
        tpu.vector_store %arg22[%swap3A_244, %swap3A_245], %mul3A_243 {strides = array<i32>} : memref<16x128xf32, #tpu.memory_space<vmem>>, vector<16xf32>,
        %add3A_247 = arith.constant 64 : i32
        %add3A_248 = vector.broadcast %add3A_247 : i32 to vector<16xi32>
        %add3A_249 = arith.addi %iota3A, %add3A_248 : vector<16xi32>
        %eq3A_250 = vector.broadcast %reduce_sum3A_155 : i32 to vector<16xi32>
        %eq3A_251 = arith.cmpi eq, %add3A_249, %eq3A_250 : vector<16xi32>
        %jit3A_252 = arith.constant 0.000000e+00 : f64
        %convert_element_type3A_253 = arith.truncf %jit3A_252 : f64 to f32
        %broadcast_in_dim3A_254 = vector.broadcast %reduce_sum3A_148 : f32 to vector<16xf32>
        %broadcast_in_dim3A_255 = vector.broadcast %convert_element_type3A_253 : f32 to vector<16xf32>
        %select_n3A_256 = arith.select %eq3A_251, %broadcast_in_dim3A_254, %broadcast_in_dim3A_255 : vector<16xi1>, vector<16xf32>
        %swap3A_257 = arith.index_cast %scan3A_140 : i32 to index
        %swap3A_258 = arith.constant 64 : index
        %swap3A_259 = tpu.vector_load %arg23[%swap3A_257, %swap3A_258] {strides = array<i32>} : memref<16x128xf32, #tpu.memory_space<vmem>>, vector<16xf32>,
        tpu.vector_store %arg23[%swap3A_257, %swap3A_258], %select_n3A_256 {strides = array<i32>} : memref<16x128xf32, #tpu.memory_space<vmem>>, vector<16xf32>,
        %get3A_260 = arith.index_cast %scan3A_140 : i32 to index
        %get3A_261 = arith.constant 80 : index
        %get3A_262 = tpu.vector_load %arg21[%get3A_260, %get3A_261] {strides = array<i32>} : memref<16x128xf32, #tpu.memory_space<vmem>>, vector<16xf32>,
        %mul3A_263 = vector.broadcast %reduce_sum3A_148 : f32 to vector<16xf32>
        %mul3A_264 = arith.mulf %mul3A_263, %get3A_262 : vector<16xf32>
        %swap3A_265 = arith.index_cast %scan3A_140 : i32 to index
        %swap3A_266 = arith.constant 80 : index
        %swap3A_267 = tpu.vector_load %arg22[%swap3A_265, %swap3A_266] {strides = array<i32>} : memref<16x128xf32, #tpu.memory_space<vmem>>, vector<16xf32>,
        tpu.vector_store %arg22[%swap3A_265, %swap3A_266], %mul3A_264 {strides = array<i32>} : memref<16x128xf32, #tpu.memory_space<vmem>>, vector<16xf32>,
        %add3A_268 = arith.constant 80 : i32
        %add3A_269 = vector.broadcast %add3A_268 : i32 to vector<16xi32>
        %add3A_270 = arith.addi %iota3A, %add3A_269 : vector<16xi32>
        %eq3A_271 = vector.broadcast %reduce_sum3A_155 : i32 to vector<16xi32>
        %eq3A_272 = arith.cmpi eq, %add3A_270, %eq3A_271 : vector<16xi32>
        %jit3A_273 = arith.constant 0.000000e+00 : f64
        %convert_element_type3A_274 = arith.truncf %jit3A_273 : f64 to f32
        %broadcast_in_dim3A_275 = vector.broadcast %reduce_sum3A_148 : f32 to vector<16xf32>
        %broadcast_in_dim3A_276 = vector.broadcast %convert_element_type3A_274 : f32 to vector<16xf32>
        %select_n3A_277 = arith.select %eq3A_272, %broadcast_in_dim3A_275, %broadcast_in_dim3A_276 : vector<16xi1>, vector<16xf32>
        %swap3A_278 = arith.index_cast %scan3A_140 : i32 to index
        %swap3A_279 = arith.constant 80 : index
        %swap3A_280 = tpu.vector_load %arg23[%swap3A_278, %swap3A_279] {strides = array<i32>} : memref<16x128xf32, #tpu.memory_space<vmem>>, vector<16xf32>,
        tpu.vector_store %arg23[%swap3A_278, %swap3A_279], %select_n3A_277 {strides = array<i32>} : memref<16x128xf32, #tpu.memory_space<vmem>>, vector<16xf32>,
        %get3A_281 = arith.index_cast %scan3A_140 : i32 to index
        %get3A_282 = arith.constant 96 : index
        %get3A_283 = tpu.vector_load %arg21[%get3A_281, %get3A_282] {strides = array<i32>} : memref<16x128xf32, #tpu.memory_space<vmem>>, vector<16xf32>,
        %mul3A_284 = vector.broadcast %reduce_sum3A_148 : f32 to vector<16xf32>
        %mul3A_285 = arith.mulf %mul3A_284, %get3A_283 : vector<16xf32>
        %swap3A_286 = arith.index_cast %scan3A_140 : i32 to index
        %swap3A_287 = arith.constant 96 : index
        %swap3A_288 = tpu.vector_load %arg22[%swap3A_286, %swap3A_287] {strides = array<i32>} : memref<16x128xf32, #tpu.memory_space<vmem>>, vector<16xf32>,
        tpu.vector_store %arg22[%swap3A_286, %swap3A_287], %mul3A_285 {strides = array<i32>} : memref<16x128xf32, #tpu.memory_space<vmem>>, vector<16xf32>,
        %add3A_289 = arith.constant 96 : i32
        %add3A_290 = vector.broadcast %add3A_289 : i32 to vector<16xi32>
        %add3A_291 = arith.addi %iota3A, %add3A_290 : vector<16xi32>
        %eq3A_292 = vector.broadcast %reduce_sum3A_155 : i32 to vector<16xi32>
        %eq3A_293 = arith.cmpi eq, %add3A_291, %eq3A_292 : vector<16xi32>
        %jit3A_294 = arith.constant 0.000000e+00 : f64
        %convert_element_type3A_295 = arith.truncf %jit3A_294 : f64 to f32
        %broadcast_in_dim3A_296 = vector.broadcast %reduce_sum3A_148 : f32 to vector<16xf32>
        %broadcast_in_dim3A_297 = vector.broadcast %convert_element_type3A_295 : f32 to vector<16xf32>
        %select_n3A_298 = arith.select %eq3A_293, %broadcast_in_dim3A_296, %broadcast_in_dim3A_297 : vector<16xi1>, vector<16xf32>
        %swap3A_299 = arith.index_cast %scan3A_140 : i32 to index
        %swap3A_300 = arith.constant 96 : index
        %swap3A_301 = tpu.vector_load %arg23[%swap3A_299, %swap3A_300] {strides = array<i32>} : memref<16x128xf32, #tpu.memory_space<vmem>>, vector<16xf32>,
        tpu.vector_store %arg23[%swap3A_299, %swap3A_300], %select_n3A_298 {strides = array<i32>} : memref<16x128xf32, #tpu.memory_space<vmem>>, vector<16xf32>,
        %get3A_302 = arith.index_cast %scan3A_140 : i32 to index
        %get3A_303 = arith.constant 112 : index
        %get3A_304 = tpu.vector_load %arg21[%get3A_302, %get3A_303] {strides = array<i32>} : memref<16x128xf32, #tpu.memory_space<vmem>>, vector<16xf32>,
        %mul3A_305 = vector.broadcast %reduce_sum3A_148 : f32 to vector<16xf32>
        %mul3A_306 = arith.mulf %mul3A_305, %get3A_304 : vector<16xf32>
        %swap3A_307 = arith.index_cast %scan3A_140 : i32 to index
        %swap3A_308 = arith.constant 112 : index
        %swap3A_309 = tpu.vector_load %arg22[%swap3A_307, %swap3A_308] {strides = array<i32>} : memref<16x128xf32, #tpu.memory_space<vmem>>, vector<16xf32>,
        tpu.vector_store %arg22[%swap3A_307, %swap3A_308], %mul3A_306 {strides = array<i32>} : memref<16x128xf32, #tpu.memory_space<vmem>>, vector<16xf32>,
        %add3A_310 = arith.constant 112 : i32
        %add3A_311 = vector.broadcast %add3A_310 : i32 to vector<16xi32>
        %add3A_312 = arith.addi %iota3A, %add3A_311 : vector<16xi32>
        %eq3A_313 = vector.broadcast %reduce_sum3A_155 : i32 to vector<16xi32>
        %eq3A_314 = arith.cmpi eq, %add3A_312, %eq3A_313 : vector<16xi32>
        %jit3A_315 = arith.constant 0.000000e+00 : f64
        %convert_element_type3A_316 = arith.truncf %jit3A_315 : f64 to f32
        %broadcast_in_dim3A_317 = vector.broadcast %reduce_sum3A_148 : f32 to vector<16xf32>
        %broadcast_in_dim3A_318 = vector.broadcast %convert_element_type3A_316 : f32 to vector<16xf32>
        %select_n3A_319 = arith.select %eq3A_314, %broadcast_in_dim3A_317, %broadcast_in_dim3A_318 : vector<16xi1>, vector<16xf32>
        %swap3A_320 = arith.index_cast %scan3A_140 : i32 to index
        %swap3A_321 = arith.constant 112 : index
        %swap3A_322 = tpu.vector_load %arg23[%swap3A_320, %swap3A_321] {strides = array<i32>} : memref<16x128xf32, #tpu.memory_space<vmem>>, vector<16xf32>,
        tpu.vector_store %arg23[%swap3A_320, %swap3A_321], %select_n3A_319 {strides = array<i32>} : memref<16x128xf32, #tpu.memory_space<vmem>>, vector<16xf32>,
        %add3A_323 = arith.constant 1 : i32
        %add3A_324 = arith.addi %scan3A_140, %add3A_323 : i32
        scf.yield %add3A_324 : i32
      }
      %scan3A_131 = arith.constant 16 : i32
      "tpu.region"() ({
        %run_scoped3A = tpu.sem_alloc : memref<!tpu.dma_semaphore, #tpu.memory_space<semaphore_mem>>
        %dma_start3A_139 = arith.constant 0 : i32
        %dma_start3A_140 = arith.constant 0 : i32
        %dma_start3A_141 = tpu.memref_slice %arg24[%dma_start3A_139, %dma_start3A_140] : memref<10496x128xf32, #tpu.memory_space<vmem_shared>> -> memref<10496x128xf32, #tpu.memory_space<vmem_shared>>
        tpu.enqueue_indirect_dma source(%arg22 : memref<16x128xf32, #tpu.memory_space<vmem>>) target(%dma_start3A_141 : memref<10496x128xf32, #tpu.memory_space<vmem_shared>>) offsets(%get3A_19 : vector<16xi32>) semaphore(%run_scoped3A : memref<!tpu.dma_semaphore, #tpu.memory_space<semaphore_mem>>) {add = true}
        %dma_wait3A_142 = arith.constant 0 : i32
        %dma_wait3A_143 = arith.constant 0 : i32
        %dma_wait3A_144 = tpu.memref_slice %arg24[%dma_wait3A_142, %dma_wait3A_143] : memref<10496x128xf32, #tpu.memory_space<vmem_shared>> -> memref<10496x128xf32, #tpu.memory_space<vmem_shared>>
        tpu.wait_indirect_dma semaphore(%run_scoped3A : memref<!tpu.dma_semaphore, #tpu.memory_space<semaphore_mem>>) src(%arg22 : memref<16x128xf32, #tpu.memory_space<vmem>>) dst(%dma_wait3A_144 : memref<10496x128xf32, #tpu.memory_space<vmem_shared>>)
        tpu.yield
      }) : () -> ()
      %shift_right_logical3A = arith.constant 7 : i32
      %shift_right_logical3A_132 = vector.broadcast %shift_right_logical3A : i32 to vector<16xi32>
      %shift_right_logical3A_133 = arith.shrui %get3A_19, %shift_right_logical3A_132 : vector<16xi32>
      %add3A_134 = arith.constant 10240 : i32
      %add3A_135 = vector.broadcast %add3A_134 : i32 to vector<16xi32>
      %add3A_136 = arith.addi %shift_right_logical3A_133, %add3A_135 : vector<16xi32>
      "tpu.region"() ({
        %run_scoped3A = tpu.sem_alloc : memref<!tpu.dma_semaphore, #tpu.memory_space<semaphore_mem>>
        %dma_start3A_139 = arith.constant 0 : i32
        %dma_start3A_140 = arith.constant 0 : i32
        %dma_start3A_141 = tpu.memref_slice %arg24[%dma_start3A_139, %dma_start3A_140] : memref<10496x128xf32, #tpu.memory_space<vmem_shared>> -> memref<10496x128xf32, #tpu.memory_space<vmem_shared>>
        tpu.enqueue_indirect_dma source(%arg23 : memref<16x128xf32, #tpu.memory_space<vmem>>) target(%dma_start3A_141 : memref<10496x128xf32, #tpu.memory_space<vmem_shared>>) offsets(%add3A_136 : vector<16xi32>) semaphore(%run_scoped3A : memref<!tpu.dma_semaphore, #tpu.memory_space<semaphore_mem>>) {add = true}
        %dma_wait3A_142 = arith.constant 0 : i32
        %dma_wait3A_143 = arith.constant 0 : i32
        %dma_wait3A_144 = tpu.memref_slice %arg24[%dma_wait3A_142, %dma_wait3A_143] : memref<10496x128xf32, #tpu.memory_space<vmem_shared>> -> memref<10496x128xf32, #tpu.memory_space<vmem_shared>>
        tpu.wait_indirect_dma semaphore(%run_scoped3A : memref<!tpu.dma_semaphore, #tpu.memory_space<semaphore_mem>>) src(%arg23 : memref<16x128xf32, #tpu.memory_space<vmem>>) dst(%dma_wait3A_144 : memref<10496x128xf32, #tpu.memory_space<vmem_shared>>)
        tpu.yield
      }) : () -> ()
      %add3A_137 = arith.constant 16 : i32
      %add3A_138 = arith.addi %multiple_of3A_18, %add3A_137 : i32
      scf.yield %add3A_138 : i32
    }
    %scan3A_11 = arith.constant 313 : i32
    %barrier3A_12 = arith.constant 0 : index
    tpu.barrier barrier_id(%barrier3A_12)
    %mul3A_13 = arith.constant 656 : i32
    %mul3A_14 = arith.muli %arg1, %mul3A_13 : i32
    %multiple_of3A_15 = tpu.assume_multiple %mul3A_14, 16 : i32
    "tpu.region"() ({
      %run_scoped3A = tpu.sem_alloc : memref<!tpu.dma_semaphore, #tpu.memory_space<semaphore_mem>>
      %dma_start3A = arith.constant 0 : i32
      %dma_start3A_16 = tpu.memref_slice %arg10[%arg0, %multiple_of3A_15, %dma_start3A] : memref<2x10496x128xf32, #tpu.memory_space<hbm>> -> memref<1x656x128xf32, #tpu.memory_space<hbm>>
      %dma_start3A_17 = tpu.memref_squeeze %dma_start3A_16 : memref<1x656x128xf32, #tpu.memory_space<hbm>> -> memref<656x128xf32, #tpu.memory_space<hbm>>
      %dma_start3A_18 = arith.constant 0 : i32
      %dma_start3A_19 = tpu.memref_slice %arg24[%multiple_of3A_15, %dma_start3A_18] : memref<10496x128xf32, #tpu.memory_space<vmem_shared>> -> memref<656x128xf32, #tpu.memory_space<vmem_shared>>
      tpu.enqueue_dma source(%dma_start3A_19 : memref<656x128xf32, #tpu.memory_space<vmem_shared>>) target(%dma_start3A_17 : memref<656x128xf32, #tpu.memory_space<hbm>>) target_semaphore(%run_scoped3A : memref<!tpu.dma_semaphore, #tpu.memory_space<semaphore_mem>>)
      %dma_wait3A = arith.constant 0 : i32
      %dma_wait3A_20 = tpu.memref_slice %arg10[%arg0, %multiple_of3A_15, %dma_wait3A] : memref<2x10496x128xf32, #tpu.memory_space<hbm>> -> memref<1x656x128xf32, #tpu.memory_space<hbm>>
      %dma_wait3A_21 = tpu.memref_squeeze %dma_wait3A_20 : memref<1x656x128xf32, #tpu.memory_space<hbm>> -> memref<656x128xf32, #tpu.memory_space<hbm>>
      %dma_wait3A_22 = arith.constant 0 : i32
      %dma_wait3A_23 = tpu.memref_slice %arg24[%multiple_of3A_15, %dma_wait3A_22] : memref<10496x128xf32, #tpu.memory_space<vmem_shared>> -> memref<656x128xf32, #tpu.memory_space<vmem_shared>>
      tpu.wait_dma2 semaphore(%run_scoped3A : memref<!tpu.dma_semaphore, #tpu.memory_space<semaphore_mem>>) src(%dma_wait3A_23 : memref<656x128xf32, #tpu.memory_space<vmem_shared>>) dst(%dma_wait3A_21 : memref<656x128xf32, #tpu.memory_space<hbm>>)
      tpu.yield
    }) : () -> ()
    return
  }
}

module attributes {stable_mosaic.version = 14 : i64} {
  func.func @_mm_body(%arg0: i32, %arg1: memref<400x128xf32, #tpu.memory_space<vmem>>, %arg2: memref<128x3200xf32, #tpu.memory_space<vmem>>, %arg3: memref<128x256xf32, #tpu.memory_space<vmem>>, %arg4: memref<400x3200xf32, #tpu.memory_space<vmem>>, %arg5: memref<400x256xf32, #tpu.memory_space<vmem>>) attributes {dimension_semantics = [#tpu.dimension_semantics<arbitrary>], iteration_bounds = array<i64: 25>, scalar_prefetch = 0 : i64, scratch_operands = 0 : i64, tpu.core_type = #tpu.core_type<tc>, window_params = [{transform_indices = @transform_0, window_bounds = array<i64: 400, 128>}, {pipeline_mode = #tpu.pipeline_mode<synchronous>, transform_indices = @transform_1, window_bounds = array<i64: 128, 3200>}, {pipeline_mode = #tpu.pipeline_mode<synchronous>, transform_indices = @transform_2, window_bounds = array<i64: 128, 256>}, {transform_indices = @transform_3, window_bounds = array<i64: 400, 3200>}, {transform_indices = @transform_4, window_bounds = array<i64: 400, 256>}]} {
    %get3A = arith.constant 0 : index
    %get3A_0 = arith.constant 0 : index
    %get3A_1 = vector.load %arg1[%get3A, %get3A_0] : memref<400x128xf32, #tpu.memory_space<vmem>>, vector<400x128xf32>
    %get3A_2 = arith.constant 0 : index
    %get3A_3 = arith.constant 0 : index
    %get3A_4 = vector.load %arg2[%get3A_2, %get3A_3] : memref<128x3200xf32, #tpu.memory_space<vmem>>, vector<128x3200xf32>
    %dot_general3A = arith.constant dense<0.000000e+00> : vector<400x3200xf32>
    %dot_general3A_5 = tpu.matmul %get3A_1, %get3A_4, %dot_general3A {dimension_numbers = #tpu.dot_dimension_numbers<[1], [0], [0], [1], [0, 0, 1, 1], [], []>, transpose_lhs_hint = false} : vector<400x128xf32>, vector<128x3200xf32>, vector<400x3200xf32> -> vector<400x3200xf32>
    %swap3A = arith.constant 0 : index
    %swap3A_6 = arith.constant 0 : index
    %swap3A_7 = vector.load %arg4[%swap3A, %swap3A_6] : memref<400x3200xf32, #tpu.memory_space<vmem>>, vector<400x3200xf32>
    tpu.vector_store %arg4[%swap3A, %swap3A_6], %dot_general3A_5 {strides = array<i32>} : memref<400x3200xf32, #tpu.memory_space<vmem>>, vector<400x3200xf32>,
    %get3A_8 = arith.constant 0 : index
    %get3A_9 = arith.constant 0 : index
    %get3A_10 = vector.load %arg3[%get3A_8, %get3A_9] : memref<128x256xf32, #tpu.memory_space<vmem>>, vector<128x256xf32>
    %dot_general3A_11 = arith.constant dense<0.000000e+00> : vector<400x256xf32>
    %dot_general3A_12 = tpu.matmul %get3A_1, %get3A_10, %dot_general3A_11 {dimension_numbers = #tpu.dot_dimension_numbers<[1], [0], [0], [1], [0, 0, 1, 1], [], []>, transpose_lhs_hint = false} : vector<400x128xf32>, vector<128x256xf32>, vector<400x256xf32> -> vector<400x256xf32>
    %swap3A_13 = arith.constant 0 : index
    %swap3A_14 = arith.constant 0 : index
    %swap3A_15 = vector.load %arg5[%swap3A_13, %swap3A_14] : memref<400x256xf32, #tpu.memory_space<vmem>>, vector<400x256xf32>
    tpu.vector_store %arg5[%swap3A_13, %swap3A_14], %dot_general3A_12 {strides = array<i32>} : memref<400x256xf32, #tpu.memory_space<vmem>>, vector<400x256xf32>,
    return
  }
  func.func @transform_0(%arg0: i32) -> (i32, i32) {
    %c0_i32 = arith.constant 0 : i32
    %c0_i32_0 = arith.constant 0 : i32
    return %arg0, %c0_i32 : i32, i32
  }
  func.func @transform_1(%arg0: i32) -> (i32, i32) {
    %c0_i32 = arith.constant 0 : i32
    %c0_i32_0 = arith.constant 0 : i32
    %c0_i32_1 = arith.constant 0 : i32
    return %c0_i32, %c0_i32_0 : i32, i32
  }
  func.func @transform_2(%arg0: i32) -> (i32, i32) {
    %c0_i32 = arith.constant 0 : i32
    %c0_i32_0 = arith.constant 0 : i32
    %c0_i32_1 = arith.constant 0 : i32
    return %c0_i32, %c0_i32_0 : i32, i32
  }
  func.func @transform_3(%arg0: i32) -> (i32, i32) {
    %c0_i32 = arith.constant 0 : i32
    %c0_i32_0 = arith.constant 0 : i32
    return %arg0, %c0_i32 : i32, i32
  }
  func.func @transform_4(%arg0: i32) -> (i32, i32) {
    %c0_i32 = arith.constant 0 : i32
    %c0_i32_0 = arith.constant 0 : i32
    return %arg0, %c0_i32 : i32, i32
  }
}

</mosaic_0001>

<sc_bundles>
// kernel: kernel.5.cloned.1.call-start
scs
__scs_entry_jumppad:
0x0: {  	(pc) =	sbr.rel $0x88, $3  }
0x1: {  	(tag) =	ssettag $0x0;
	lr =	simm.s32 $0x1  }
0x2: {  	[smem:$0x3F9A] =	sst lr;
	_ =	strace $0xD0000000  }
0x3: {  	_ = 	snop  }
0x4: {  	_ = 	snop  }
0x5: {  	_ = 	snop  }
0x6: {  	_ = 	snop  }
0x7: {  	_ = 	snop  }
__scs_overlays_trampoline_lowered:
0x8: {  	[smem:$0x3FA9] =	sst s0  }
0x9: {  	[smem:$0x3FAA] =	sst s1  }
0xa: {  	[smem:$0x3FAB] =	sst s2  }
0xb: {  	[smem:$0x3FAC] =	sst s3  }
0xc: {  	[smem:$0x3FAD] =	sst s4  }
0xd: {  	[smem:$0x3FAE] =	sst s5  }
0xe: {  	[smem:$0x3FAF] =	sst s6  }
0xf: {  	[smem:$0x3FB0] =	sst s7  }
0x10: {  	[smem:$0x3FB1] =	sst s8  }
0x11: {  	[smem:$0x3FB2] =	sst s9;
	s0 =	simm.s32 @!p0 $0x0  }
0x12: {  	s1 =	sld [smem:$0x3F98];
	s0 =	simm.s32 @p0 $0x1  }
0x13: {  	[smem:$0x3FB3] =	sst s0;
	s0 =	simm.s32 @!p1 $0x0  }
0x14: {  	s2 =	sld [smem:$0x3F97];
	s0 =	simm.s32 @p1 $0x1  }
0x15: {  	[smem:$0x3FB4] =	sst s0;
	s0 =	simm.s32 @!p2 $0x0  }
0x16: {  	s3 =	sld [smem:$0x3FDB];
	s0 =	simm.s32 @p2 $0x1  }
0x17: {  	s4 =	simm.s32 $0x1BF5;
	[smem:$0x3FB6] =	sst s0  }
0x18: {  	s0 =	sld [smem:$0x3F99];
	_ =	swait.ge [sflag:s4], $0x0  }
0x19: {  	s7 =	sld [smem:$0x3F9A]  }
0x1a: {  	s8 =	sadd.s32 $0xFFFFE003, lr  }
0x1b: {  	s9 =	sadd.s32 $0xFFFFFEF7, lr;
	s5 =	simm.s32 $0xFFFFFFFF;
	p2 =	slt.u32 s8, $0xFFFFF086  }
0x1c: {  	p1 =	slt.u32 s9, $0xF7A;
	s5 =	simm.s32 @!p2 $0x0  }
0x1d: {  	s5 =	simm.s32 @p1 $0x1;
	p0 =	seq.s32 s7, s2  }
0x1e: {  	s7 =	smul.u32 @!p0 $0xF7A, s2;
	p2 =	seq.s32 @!p0 s5, $0x0  }
0x1f: {  	s9 =	smul.u32 $0xF7A, s1;
	s8 =	simm.s32 @!p0 $0x1BF5;
	p2 =	por !p2, p0  }
0x20: {  	[sflag:s8] =	ssyncset.s32 @!p0 $0xFFFFF086;
	s6 =	sadd.s32 @!p0 s3, s7;
	s7 =	simm.s32 @!p0 $0x108  }
0x21: {  	s3 =	sadd.s32 s3, s9;
	s6 =	sadd.s32 @!p0 $0x88, s6;
	s7 =	simm.s32 @p2 $0x1082  }
0x22: {  	[simem:s7], [sflag:s8] =	dma.local @!p0 [hbm:s6], $0xF7A  }
0x23: {  	s9 =	sor.u32 $0xD0000000, s2;
	s6 =	simm.s32 $0x108;
	_ =	swait.ge @!p0 [sflag:s8], $0x0  }
0x24: {  	s3 =	sadd.s32 $0x88, s3;
	s6 =	simm.s32 @!p1 $0x1082;
	[sflag:s4] =	ssyncset.s32 $0xFFFFF086  }
0x25: {  	[simem:s6], [sflag:s4] =	dma.local [hbm:s3], $0xF7A  }
0x26: {  	[smem:$0x3F9A] =	sst s1;
	(tag) =	ssettag s2;
	_ =	strace s9  }
0x27: {  	s1 =	sld [smem:$0x3FAA]  }
0x28: {  	s2 =	sld [smem:$0x3FAB]  }
0x29: {  	s4 =	sld [smem:$0x3FAD]  }
0x2a: {  	p0 =	seq.s32 s5, $0x0;
	s5 =	sld [smem:$0x3FAE]  }
0x2b: {  	s6 =	sld [smem:$0x3FAF]  }
0x2c: {  	s7 =	sld [smem:$0x3FB0]  }
0x2d: {  	s3 =	simm.s32 $0x108;
	s8 =	sld [smem:$0x3FB1]  }
0x2e: {  	s3 =	simm.s32 @!p0 $0x1082;
	s9 =	sld [smem:$0x3FB2]  }
0x2f: {  	lr =	sadd.s32 s0, s3;
	s0 =	sld [smem:$0x3FA9]  }
0x30: {  	s3 =	sld [smem:$0x3FAC]  }
0x31: {  	[smem:$0x3FB5] =	sst s10  }
0x32: {  	s10 =	sld [smem:$0x3FB3];
	_ =	sdelay $0x3  }
0x33: {  	p0 =	seq.s32 s10, $0x1;
	s10 =	sld [smem:$0x3FB5];
	_ =	sdelay $0x3  }
0x34: {  	[smem:$0x3FB5] =	sst s10  }
0x35: {  	s10 =	sld [smem:$0x3FB4];
	_ =	sdelay $0x3  }
0x36: {  	p1 =	seq.s32 s10, $0x1;
	s10 =	sld [smem:$0x3FB5];
	_ =	sdelay $0x3  }
0x37: {  	[smem:$0x3FB5] =	sst s10  }
0x38: {  	s10 =	sld [smem:$0x3FB6]  }
0x39: {  	_ = 	snop;
	(pc) =	sbr.ind lr, $3  }
0x3a: {  	_ = 	snop  }
0x3b: {  	_ = 	snop  }
0x3c: {  	p2 =	seq.s32 s10, $0x1;
	s10 =	sld [smem:$0x3FB5]  }
0x3d: {  	_ =	shalt  }
0x3e: {  	_ =	shalt  }
0x3f: {  	_ =	shalt  }
0x40: {  	_ =	shalt  }
0x41: {  	_ =	shalt  }
0x42: {  	_ =	shalt  }
0x43: {  	_ =	shalt  }
0x44: {  	_ =	shalt  }
0x45: {  	_ =	shalt  }
0x46: {  	_ =	shalt  }
0x47: {  	_ =	shalt  }
0x48: {  	_ =	shalt  }
0x49: {  	_ =	shalt  }
0x4a: {  	_ =	shalt  }
0x4b: {  	_ =	shalt  }
0x4c: {  	_ =	shalt  }
0x4d: {  	_ =	shalt  }
0x4e: {  	_ =	shalt  }
0x4f: {  	_ =	shalt  }
0x50: {  	_ =	shalt  }
0x51: {  	_ =	shalt  }
0x52: {  	_ =	shalt  }
0x53: {  	_ =	shalt  }
0x54: {  	_ =	shalt  }
0x55: {  	_ =	shalt  }
0x56: {  	_ =	shalt  }
0x57: {  	_ =	shalt  }
0x58: {  	_ =	shalt  }
0x59: {  	_ =	shalt  }
0x5a: {  	_ =	shalt  }
0x5b: {  	_ =	shalt  }
0x5c: {  	_ =	shalt  }
0x5d: {  	_ =	shalt  }
0x5e: {  	_ =	shalt  }
0x5f: {  	_ =	shalt  }
0x60: {  	_ =	shalt  }
0x61: {  	_ =	shalt  }
0x62: {  	_ =	shalt  }
0x63: {  	_ =	shalt  }
0x64: {  	_ =	shalt  }
0x65: {  	_ =	shalt  }
0x66: {  	_ =	shalt  }
0x67: {  	_ =	shalt  }
0x68: {  	_ =	shalt  }
0x69: {  	_ =	shalt  }
0x6a: {  	_ =	shalt  }
0x6b: {  	_ =	shalt  }
0x6c: {  	_ =	shalt  }
0x6d: {  	_ =	shalt  }
0x6e: {  	_ =	shalt  }
0x6f: {  	_ =	shalt  }
0x70: {  	_ =	shalt  }
0x71: {  	_ =	shalt  }
0x72: {  	_ =	shalt  }
0x73: {  	_ =	shalt  }
0x74: {  	_ =	shalt  }
0x75: {  	_ =	shalt  }
0x76: {  	_ =	shalt  }
0x77: {  	_ =	shalt  }
0x78: {  	_ =	shalt  }
0x79: {  	_ =	shalt  }
0x7a: {  	_ =	shalt  }
0x7b: {  	_ =	shalt  }
0x7c: {  	_ =	shalt  }
0x7d: {  	_ =	shalt  }
0x7e: {  	_ =	shalt  }
0x7f: {  	_ =	shalt  }
0x80: {  	_ =	shalt  }
0x81: {  	_ =	shalt  }
0x82: {  	_ =	shalt  }
0x83: {  	_ =	shalt  }
0x84: {  	_ =	shalt  }
0x85: {  	_ =	shalt  }
0x86: {  	_ =	shalt  }
0x87: {  	_ =	shalt  }
.Lfunc_end0:
.L_simem_size_0:
called_computation_lowered:
.L_overlay_start_0:
0x88: {  	s2 =	sld [smem:$0x3FD9]  }
0x89: {  	s3 =	sld [smem:$0x3FFE];
	_ =	sdelay $0x1  }
0x8a: {  	s1 =	srdreg.scid  }
0x8b: {  	s0 =	sand.u32 $0x1, s1  }
0x8c: {  	s17 =	sshll.u32 s0, $0xA;
	s2 =	sadd.s32 s3, s2  }
0x8d: {  	s2 =	sadd.s32 s2, s17  }
0x8e: {  	[smem:$0x3FC1] =	sst s2  }
0x8f: {  	_ = 	snop  }
0x90: {  	s2 =	sld [smem:$0x3FD0];
	(tm) =	ssettm $0x1  }
0x91: {  	s18 =	sld [smem:$0x3FFB];
	_ =	sdelay $0x3  }
0x92: {  	_ =	strace s18  }
0x93: {  	s3 =	sld [smem:$0x3FFC];
	_ =	sdelay $0x3  }
0x94: {  	_ =	strace s3  }
0x95: {  	s3 =	sld [smem:$0x3FFD];
	_ =	sdelay $0x3  }
0x96: {  	_ =	strace s3  }
0x97: {  	_ =	strace $0x8FFFFFFF  }
0x98: {  	s19 =	sld [smem:$0x3FDB];
	_ =	sdelay $0x1  }
0x99: {  	s4 =	simm.s32 $_scs_section_size  }
0x9a: {  	s5 =	simm.s32 $_size__tile_overlayer_lowered;
	s6 =	simm.s32 $_tile_overlayer_lowered  }
0x9b: {  	s22 =	simm.s32 $0x1BFF;
	s21 =	sshll.u32 s6, $0x1;
	s3 =	sadd.s32 s4, s19  }
0x9c: {  	s7 =	simm.s32 $0x0;
	s20 =	sshll.u32 s5, $0x1;
	s5 =	sadd.s32 s21, s3  }
0x9d: {  	[timem:s7], [sflag:s22] =	dma.local [hbm:s5], s20  }
0x9e: {  	_ =	swait.ge [sflag:s22], s20  }
0x9f: {  	s4 =	ssub.s32 $0x0, s20;
	[sflag:s22] =	ssyncset.done $0x0  }
0xa0: {  	[sflag:s22] =	ssyncadd.s32 s4;
	_ =	sdelay $0x1  }
0xa1: {  	s23 =	simm.s32 $0x1B8B  }
0xa2: {  	_ =	swait.ge [sflag:s23], $0x1  }
0xa3: {  	[sflag:s23] =	ssyncset.done $0x0  }
0xa4: {  	s25 =	simm.s32 $0x1B8E;
	s24 =	sld [smem:$0x3FFE];
	[sflag:s23] =	ssyncadd.s32 $0xFFFFFFFF  }
0xa5: {  	s26 =	simm.s32 $execute0_lowered;
	[smem:$0x3FD2] =	sst s25  }
0xa6: {  	s5 =	sshll.u32 s26, $0x1;
	_ =	strace $0x80000046;
	[dreg:$0x1] =	wrdreg $0xFFFFFFFF  }
0xa7: {  	s28 =	simm.s32 $_size_execute0_lowered;
	s3 =	sadd.s32 s3, s5;
	[dreg:$0x0] =	wrdreg $0x0  }
0xa8: {  	s5 =	sshll.u32 s28, $0x1;
	[dreg:$0x2] =	wrdreg s3  }
0xa9: {  	[dreg:$0x3] =	wrdreg s5  }
0xaa: {  	[dreg:$0x4] =	wrdreg $0xC0  }
0xab: {  	_ =	task [dreg:s7], $0x5FFFF  }
0xac: {  	[dreg:$0x1] =	wrdreg $0xFFFFFFFF  }
0xad: {  	[dreg:$0x0] =	wrdreg $0x60  }
0xae: {  	[dreg:$0x2] =	wrdreg s2  }
0xaf: {  	[dreg:$0x3] =	wrdreg s24  }
0xb0: {  	[dreg:$0x4] =	wrdreg $0xB0000  }
0xb1: {  	[dreg:$0x5] =	wrdreg $0x9  }
0xb2: {  	_ =	task.clear_ibuf [dreg:s7], $0x6FFFF;
	_ =	strace $0x90000046  }
0xb3: {  	s29 =	simm.s32 $0x9;
	_ =	strace $0x80000048  }
0xb4: {  	_ =	swait.ge [sflag:s29], $0x1  }
0xb5: {  	[sflag:s29] =	ssyncadd.s32 $0xFFFFFFFF  }
0xb6: {  	_ =	strace $0x90000048  }
0xb7: {  	_ =	sfence  }
0xb8: {  	s30 =	sld [smem:$0x0];
	_ =	sdelay $0x2  }
0xb9: {  	s31 =	sshll.u32 s1, $0xD;
	s1 =	sshrl.u32 s1, $0x2  }
0xba: {  	s3 =	sand.u32 $0x4000, s31;
	s1 =	sadd.s32 s1, s30  }
0xbb: {  	s0 =	sor.u32 s3, s0;
	s1 =	sshll.u32 s1, $0x11  }
0xbc: {  	s0 =	sor.u32 s1, s0  }
0xbd: {  	s0 =	sadd.s32 $0x8F2B, s0  }
0xbe: {  	[sflag:s0] =	ssyncadd.remote.s32 $0x1  }
0xbf: {  	_ =	sfence.sel $0xFFFF  }
0xc0: {  	[dreg:$0x0] =	wrdreg $0xFFFFFFFF;
	(pc) =	sbr.abs _section_cstart, $3  }
0xc1: {  	[dreg:$0x1] =	wrdreg $0xFFFFFFFF  }
0xc2: {  	_ =	task.clear_ibuf [dreg:s7], $0x2FFFF;
	_ =	strace $0x9FFFFFFF  }
0xc3: {  	(tm) =	ssettm $0x7FFFFFFF  }
tec
execute0_lowered:
.L_overlay_start_1:
0x0: {  	(tag) =	ssettag $0x1  }
0x1: {  	s0 =	rddreg [dreg:$0x0]  }
0x2: {  	s1 =	rddreg [dreg:$0x1];
	s3 =	srdreg.scid  }
0x3: {  	s12 =	stileid.u32;
	s2 =	rddreg [dreg:$0x2]  }
0x4: {  	s15 =	simm.s32 $0x2;
	s28 =	simm.s32 $0x1;
	s29 =	simm.s32 $0xA000  }
0x5: {  	s30 =	simm.s32 $0xA800;
	s31 =	simm.s32 $0x0;
	s5 =	sand.u32 $0x1, s3  }
0x6: {  	s4 =	sshll.u32 s12, $0x1;
	s3 =	simm.s32 $0x0;
	s6 =	sadd.s32 $0x41F600, s1  }
0x7: {  	s9 =	smul.u32 $0x14800, s12;
	s11 =	sadd.s32 $0x800, s1;
	s19 =	sadd.s32 $0xFA00, s1  }
0x8: {  	s21 =	smul.u32 $0x52000, s12;
	s26 =	sshll.u32 s12, $0x6;
	[smem:$0x7FF] =	sst s3  }
0x9: {  	s4 =	sor.u32 s5, s4;
	_ =	strace $0x80000047;
	[dreg:$0x4] =	wrdreg s6  }
0xa: {  	s7 =	smul.u32 $0x148000, s5;
	s5 =	ssub.s32 $0x2, s5;
	[dreg:$0x5] =	wrdreg s11  }
0xb: {  	s4 =	smul.u32 $0x1390, s4;
	s6 =	sadd.s32 $0x41FC00, s1;
	[dreg:$0x6] =	wrdreg s19  }
0xc: {  	s20 =	sshrl.u32 s5, $0x1;
	s24 =	sshrl.u32 s21, $0x2;
	s19 =	simm.s32 $0x5000  }
0xd: {  	s21 =	sor.u32 $0x1C02, s26;
	s26 =	simm.s32 $0x9000;
	s8 =	sshrl.u32 s4, $0x3  }
0xe: {  	s7 =	sadd.s32 s9, s7;
	s10 =	sadd.s32 s8, s1;
	s0 =	sadd.s32 s0, s8  }
0xf: {  	s5 =	ssub.s32 s5, s20;
	[dreg:$0x7] =	wrdreg s0;
	s22 =	sadd.s32 $0xA00, s10  }
0x10: {  	s7 =	sshrl.u32 s7, $0x3;
	s23 =	sadd.s32 $0x5A00, s10;
	[dreg:$0x8] =	wrdreg s22  }
0x11: {  	v0 =	vlaneseq.u32;
	vm0 =	vmmov $0xffff;
	s1 =	sadd.s32 s7, s1;
	s25 =	sadd.s32 $0xAA00, s10;
	[dreg:$0x9] =	wrdreg s23  }
0x12: {  	v1 =	vmul.u32 $0xFFFFFFFF, v0;
	v2 =	vor.u32 $0x10, v0;
	v3 =	vor.u32 $0x20, v0;
	s14 =	smax.u32 s5, $0x1;
	s1 =	sadd.s32 $0x12400, s1;
	[dreg:$0xa] =	wrdreg s25  }
0x13: {  	v4 =	vor.u32 $0x30, v0;
	v5 =	vor.u32 $0x40, v0;
	v6 =	vor.u32 $0x50, v0;
	s0 =	sadd.s32 s24, s2;
	s24 =	simm.s32 $0x8000;
	[dreg:$0xb] =	wrdreg s1  }
0x14: {  	v7 =	vor.u32 $0x60, v0;
	v8 =	vor.u32 $0x70, v0;
	v1 =	vadd.s32 $0x27100, v1;
	s22 =	sshrl.u32 s0, $0x3;
	s23 =	simm.s32 $0x7800;
	s25 =	simm.s32 $0x8800  }
.LBB2_1:
0x15: {  	s0 =	rddreg [dreg:$0x7]  }
0x16: {  	[tilespmem:s3], [sflag:$0x2] =	stream.linear.gather [hbm4b:s0+s3], $0x1390, $0x38;
	[tilespmem:$0x1F800] =	vst v63  }
0x17: {  	_ =	swait.ge [sflag:s15], $0x1390  }
0x18: {  	[sflag:s15] =	ssyncset.done $0x0  }
0x19: {  	s1 =	simm.s32 $0x1400;
	s9 =	rddreg [dreg:$0x8];
	[sflag:s15] =	ssyncadd.s32 $0xFFFFEC70  }
0x1a: {  	[tilespmem:s1], [sflag:$0x2] =	stream.linear.gather [hbm4b:s9+s3], $0x1390, $0x38;
	[tilespmem:$0x1F800] =	vst v63  }
0x1b: {  	_ =	swait.ge [sflag:s15], $0x1390  }
0x1c: {  	[sflag:s15] =	ssyncset.done $0x0  }
0x1d: {  	s11 =	simm.s32 $0x2800;
	s10 =	rddreg [dreg:$0x9];
	[sflag:s15] =	ssyncadd.s32 $0xFFFFEC70  }
0x1e: {  	[tilespmem:s11], [sflag:$0x2] =	stream.linear.gather [hbm4b:s10+s3], $0x1390, $0x38;
	[tilespmem:$0x1F800] =	vst v63  }
0x1f: {  	_ =	swait.ge [sflag:s15], $0x1390  }
0x20: {  	[sflag:s15] =	ssyncset.done $0x0  }
0x21: {  	s13 =	simm.s32 $0x3C00;
	s12 =	rddreg [dreg:$0xa];
	[sflag:s15] =	ssyncadd.s32 $0xFFFFEC70  }
0x22: {  	[tilespmem:s13], [sflag:$0x2] =	stream.linear.gather [hbm4b:s12+s3], $0x1390, $0x38;
	[tilespmem:$0x1F800] =	vst v63  }
0x23: {  	_ =	swait.ge [sflag:s15], $0x1390  }
0x24: {  	[sflag:s15] =	ssyncset.done $0x0  }
0x25: {  	s16 =	rddreg [dreg:$0x4];
	[sflag:s15] =	ssyncadd.s32 $0xFFFFEC70  }
0x26: {  	[tilespmem:s19], [sflag:$0x2] =	stream.linear.gather [hbm4b:s16+s3], $0x2780, $0x38;
	[tilespmem:$0x1F800] =	vst v63  }
0x27: {  	_ =	swait.ge [sflag:s15], $0x2780  }
0x28: {  	[sflag:s15] =	ssyncset.done $0x0  }
0x29: {  	s18 =	simm.s32 $0x7780;
	s17 =	rddreg [dreg:$0x5];
	[sflag:s15] =	ssyncadd.s32 $0xFFFFD880  }
0x2a: {  	[tilespmem:s18], [sflag:$0x2] =	stream.linear.gather [hbm4b:s17+s3], $0x80, $0x38;
	[tilespmem:$0x1F800] =	vst v63  }
0x2b: {  	_ =	swait.ge [sflag:s15], $0x80  }
0x2c: {  	[sflag:s15] =	ssyncset.done $0x0  }
0x2d: {  	s20 =	rddreg [dreg:$0x6];
	[sflag:s15] =	ssyncadd.s32 $0xFFFFFF80  }
0x2e: {  	[spmem:s22], [sflag:s21] =	dma.local [hbm:s20], $0x2900  }
0x2f: {  	_ =	swait.ge [sflag:s15], $0x2900  }
0x30: {  	[sflag:s15] =	ssyncset.done $0x0  }
0x31: {  	[sflag:s15] =	ssyncadd.s32 $0xFFFFD700  }
0x32: {  	s0 =	simm.s32 $0x0;
	s1 =	simm.s32 $0x0;
	[bflag:$0x0] =	sbarrier.arrive $0xFFFF  }
.LBB2_2:
0x33: {  	v9 =	vld [tilespmem:s1+$0x3C00]  }
0x34: {  	v10 =	vld [tilespmem:s1+$0x2800];
	_ =	sdelay $0x3  }
0x35: {  	v11 =	vmul.f32 $4.000000000e+00, v9  }
0x36: {  	v12 =	vmul.f32 $4.000000000e+00, v10  }
0x37: {  	v9 =	vld [tilespmem:s1+$0x1400];
	v10 =	vtrunc.f32 v11  }
0x38: {  	v13 =	vtrunc.f32 v12;
	v10 =	vcvt.f32.s32 v10  }
0x39: {  	v13 =	vcvt.f32.s32 v13  }
0x3a: {  	vm1 =	vgt.s32 v10, $0x0  }
0x3b: {  	vm2 =	vgt.s32 v13, $0x0;
	v10 =	vnsel vm1, $0x0, v10  }
0x3c: {  	v9 =	vmul.u32 $0x19, v9;
	v13 =	vnsel vm2, $0x0, v13;
	v14 =	vmin.u32 v10, $0x3  }
0x3d: {  	v13 =	vmin.u32 v13, $0x3;
	v10 =	vmul.u32 $0x5, v14  }
0x3e: {  	v9 =	vadd.s32 v9, v13  }
0x3f: {  	v10 =	vadd.s32 v10, v9;
	_ =	sdelay $0x1  }
0x40: {  	v15 =	vadd.s32 $0x1, v10;
	_ =	sdelay $0x1  }
0x41: {  	s5 =	simm.s32 $0x0;
	v9 =	vld [tilespmem:s1+$0x0];
	v16 =	vadd.s32 $0x5, v10  }
0x42: {  	[tilespmem:s23], [sflag:$0x1] =	stream.indirect_vreg.gather [hbm4b:s6+s5], $0x80, v10, vm0, $0xb8;
	[tilespmem:$0x1F800] =	vst v63  }
0x43: {  	v10 =	vadd.s32 $0x6, v10  }
0x44: {  	[tilespmem:s24], [sflag:$0x1] =	stream.indirect_vreg.gather [hbm4b:s6+s5], $0x80, v15, vm0, $0xb8;
	[tilespmem:$0x1F800] =	vst v63  }
0x45: {  	_ = 	snop  }
0x46: {  	[tilespmem:s25], [sflag:$0x1] =	stream.indirect_vreg.gather [hbm4b:s6+s5], $0x80, v16, vm0, $0xb8;
	[tilespmem:$0x1F800] =	vst v63  }
0x47: {  	_ = 	snop  }
0x48: {  	[tilespmem:s26], [sflag:$0x1] =	stream.indirect_vreg.gather [hbm4b:s6+s5], $0x80, v10, vm0, $0xb8;
	[tilespmem:$0x1F800] =	vst v63  }
0x49: {  	v10 =	vld.idx.msk [tilespmem:v9+s19+$0x0], $0xffff;
	_ =	swait.ge [sflag:s28], $0x800  }
0x4a: {  	v13 =	vcvt.s32.f32 v13;
	v14 =	vcvt.s32.f32 v14;
	[sflag:s28] =	ssyncset.done $0x0  }
0x4b: {  	[sflag:s28] =	ssyncadd.s32 $0xFFFFF800  }
0x4c: {  	v13 =	vsub.f32 v12, v13;
	v15 =	vsub.f32 v11, v14;
	_ =	swait.ge [sflag:s28], $0x800  }
0x4d: {  	[sflag:s28] =	ssyncset.done $0x0  }
0x4e: {  	v14 =	vsub.f32 $1.000000000e+00, v13;
	v12 =	vsub.f32 $1.000000000e+00, v15;
	[sflag:s28] =	ssyncadd.s32 $0xFFFFF800  }
0x4f: {  	_ =	swait.ge [sflag:s28], $0x800  }
0x50: {  	v16 =	vmov s5;
	v11 =	vmul.f32 v12, v14;
	[sflag:s28] =	ssyncset.done $0x0  }
0x51: {  	vm1 =	veq.s32 v16, v0;
	v12 =	vmul.f32 v12, v13;
	[sflag:s28] =	ssyncadd.s32 $0xFFFFF800  }
0x52: {  	v14 =	vmul.f32 v15, v14;
	v16 =	vnsel vm1, $0x0, v11;
	_ =	swait.ge [sflag:s28], $0x800  }
0x53: {  	v17 =	vnsel vm1, $0x0, v12;
	(xrf2) =	vadd.scan.msk.f32 $0xffff, v16  }
0x54: {  	v16 =	vnsel vm1, $0x0, v14;
	(xrf2) =	vadd.scan.msk.f32 $0xffff, v17  }
0x55: {  	v15 =	vmul.f32 v15, v13;
	(xrf2) =	vadd.scan.msk.f32 $0xffff, v16;
	_ =	sdelay $0x1  }
0x56: {  	v13 =	vnsel vm1, $0x0, v15  }
0x57: {  	(xrf2) =	vadd.scan.msk.f32 $0xffff, v13  }
0x58: {  	[sflag:s28] =	ssyncset.done $0x0  }
0x59: {  	s7 =	simm.s32 $0x8040;
	[sflag:s28] =	ssyncadd.s32 $0xFFFFF800  }
0x5a: {  	s9 =	simm.s32 $0x7840;
	v16 =	vld [tilespmem:s7+$0xFFFFFFC0]  }
0x5b: {  	v13 =	vld [tilespmem:s9+$0xFFFFFFC0]  }
0x5c: {  	s20 =	simm.s32 $0x8840;
	v17, _, _ =	vpop (xrf2)  }
0x5d: {  	v19 =	vld [tilespmem:s20+$0xFFFFFFC0];
	v18, _, _ =	vpop (xrf2)  }
0x5e: {  	s8 =	simm.s32 $0x9040;
	v17 =	vbroadcast v17, $0xF;
	v18 =	vbroadcast v18, $0xF;
	v20, _, _ =	vpop (xrf2)  }
0x5f: {  	v26 =	vbroadcast v20, $0xF;
	v20 =	vld [tilespmem:s8+$0xFFFFFFC0]  }
0x60: {  	v13 =	vmul.f32 v13, v17;
	v16 =	vmul.f32 v16, v18  }
0x61: {  	v21, _, _ =	vpop (xrf2)  }
0x62: {  	v13 =	vadd.f32 v16, v13;
	v16 =	vmul.f32 v19, v26;
	v19 =	vbroadcast v21, $0xF;
	_ =	sdelay $0x1  }
0x63: {  	v13 =	vadd.f32 v16, v13;
	v16 =	vmul.f32 v20, v19;
	_ =	sdelay $0x1  }
0x64: {  	v13 =	vadd.f32 v16, v13  }
0x65: {  	s17 =	simm.s32 $0x9840  }
0x66: {  	[tilespmem:s17+$0xFFFFFFC0] =	vst v13  }
0x67: {  	v16 =	vld [tilespmem:s9+$0xFFFFFFD0]  }
0x68: {  	v20 =	vld [tilespmem:s7+$0xFFFFFFD0];
	_ =	sdelay $0x1  }
0x69: {  	v21 =	vld [tilespmem:s20+$0xFFFFFFD0];
	_ =	sdelay $0x1  }
0x6a: {  	v22 =	vld [tilespmem:s8+$0xFFFFFFD0]  }
0x6b: {  	v16 =	vmul.f32 v16, v17;
	v20 =	vmul.f32 v20, v18;
	_ =	sdelay $0x1  }
0x6c: {  	v16 =	vadd.f32 v20, v16;
	v20 =	vmul.f32 v21, v26;
	_ =	sdelay $0x1  }
0x6d: {  	v16 =	vadd.f32 v20, v16;
	v20 =	vmul.f32 v22, v19;
	_ =	sdelay $0x1  }
0x6e: {  	v16 =	vadd.f32 v20, v16;
	_ =	sdelay $0x1  }
0x6f: {  	v20 =	vld [tilespmem:$0x7780];
	[tilespmem:s17+$0xFFFFFFD0] =	vst v16  }
0x70: {  	v21 =	vld [tilespmem:s9+$0xFFFFFFE0]  }
0x71: {  	v22 =	vld [tilespmem:s7+$0xFFFFFFE0];
	_ =	sdelay $0x1  }
0x72: {  	v23 =	vld [tilespmem:s20+$0xFFFFFFE0];
	_ =	sdelay $0x1  }
0x73: {  	v24 =	vld [tilespmem:s8+$0xFFFFFFE0]  }
0x74: {  	v21 =	vmul.f32 v21, v17;
	v22 =	vmul.f32 v22, v18;
	_ =	sdelay $0x1  }
0x75: {  	v21 =	vadd.f32 v22, v21;
	v22 =	vmul.f32 v23, v26;
	_ =	sdelay $0x1  }
0x76: {  	v21 =	vadd.f32 v22, v21;
	v22 =	vmul.f32 v24, v19;
	_ =	sdelay $0x1  }
0x77: {  	v21 =	vadd.f32 v22, v21;
	_ =	sdelay $0x1  }
0x78: {  	v22 =	vld [tilespmem:$0x7790];
	[tilespmem:s17+$0xFFFFFFE0] =	vst v21  }
0x79: {  	v23 =	vld [tilespmem:s7+$0xFFFFFFF0]  }
0x7a: {  	v24 =	vld [tilespmem:s9+$0xFFFFFFF0];
	_ =	sdelay $0x1  }
0x7b: {  	v25 =	vld [tilespmem:s20+$0xFFFFFFF0];
	_ =	sdelay $0x1  }
0x7c: {  	v27 =	vld [tilespmem:s8+$0xFFFFFFF0]  }
0x7d: {  	v23 =	vmul.f32 v23, v18;
	v24 =	vmul.f32 v24, v17;
	_ =	sdelay $0x1  }
0x7e: {  	v25 =	vmul.f32 v25, v26;
	v23 =	vadd.f32 v23, v24;
	_ =	sdelay $0x1  }
0x7f: {  	v24 =	vmul.f32 v27, v19;
	v23 =	vadd.f32 v25, v23;
	_ =	sdelay $0x1  }
0x80: {  	v23 =	vadd.f32 v24, v23;
	_ =	sdelay $0x1  }
0x81: {  	v25 =	vld [tilespmem:$0x77A0];
	[tilespmem:s17+$0xFFFFFFF0] =	vst v23  }
0x82: {  	v24 =	vld [tilespmem:s7+$0x0]  }
0x83: {  	v27 =	vld [tilespmem:s9+$0x0];
	_ =	sdelay $0x1  }
0x84: {  	v28 =	vld [tilespmem:s20+$0x0];
	_ =	sdelay $0x1  }
0x85: {  	v29 =	vld [tilespmem:s8+$0x0]  }
0x86: {  	v24 =	vmul.f32 v24, v18;
	v27 =	vmul.f32 v27, v17;
	_ =	sdelay $0x1  }
0x87: {  	v28 =	vmul.f32 v28, v26;
	v24 =	vadd.f32 v24, v27;
	_ =	sdelay $0x1  }
0x88: {  	v27 =	vmul.f32 v29, v19;
	v24 =	vadd.f32 v28, v24;
	_ =	sdelay $0x1  }
0x89: {  	v27 =	vadd.f32 v27, v24;
	_ =	sdelay $0x1  }
0x8a: {  	v28 =	vld [tilespmem:$0x77B0];
	[tilespmem:s17+$0x0] =	vst v27  }
0x8b: {  	v24 =	vld [tilespmem:s9+$0x10]  }
0x8c: {  	v29 =	vld [tilespmem:s7+$0x10];
	_ =	sdelay $0x1  }
0x8d: {  	v30 =	vld [tilespmem:s20+$0x10];
	_ =	sdelay $0x1  }
0x8e: {  	v31 =	vld [tilespmem:s8+$0x10]  }
0x8f: {  	v24 =	vmul.f32 v24, v17;
	v29 =	vmul.f32 v29, v18;
	_ =	sdelay $0x1  }
0x90: {  	v30 =	vmul.f32 v30, v26;
	v24 =	vadd.f32 v29, v24;
	_ =	sdelay $0x1  }
0x91: {  	v29 =	vmul.f32 v31, v19;
	v24 =	vadd.f32 v30, v24;
	_ =	sdelay $0x1  }
0x92: {  	v29 =	vadd.f32 v29, v24;
	_ =	sdelay $0x1  }
0x93: {  	v30 =	vld [tilespmem:$0x77C0];
	[tilespmem:s17+$0x10] =	vst v29  }
0x94: {  	v24 =	vld [tilespmem:s9+$0x20]  }
0x95: {  	v31 =	vld [tilespmem:s7+$0x20];
	_ =	sdelay $0x1  }
0x96: {  	s10 =	simm.s32 $0x1;
	v32 =	vld [tilespmem:s20+$0x20]  }
0x97: {  	v34 =	vmov s10  }
0x98: {  	vm2 =	veq.s32 v34, v0;
	v33 =	vld [tilespmem:s8+$0x20]  }
0x99: {  	v34 =	vnsel vm2, $0x0, v11;
	v24 =	vmul.f32 v24, v17;
	v31 =	vmul.f32 v31, v18  }
0x9a: {  	(xrf2) =	vadd.scan.msk.f32 $0xffff, v34  }
0x9b: {  	v32 =	vmul.f32 v32, v26;
	v24 =	vadd.f32 v31, v24  }
0x9c: {  	v31 =	vnsel vm2, $0x0, v12  }
0x9d: {  	(xrf2) =	vadd.scan.msk.f32 $0xffff, v31;
	v31 =	vmul.f32 v33, v19;
	v24 =	vadd.f32 v32, v24  }
0x9e: {  	v58 =	vnsel vm2, $0x0, v14  }
0x9f: {  	v59 =	vnsel vm2, $0x0, v15;
	(xrf2) =	vadd.scan.msk.f32 $0xffff, v58;
	v24 =	vadd.f32 v31, v24  }
0xa0: {  	(xrf2) =	vadd.scan.msk.f32 $0xffff, v59  }
0xa1: {  	v31 =	vld [tilespmem:$0x77D0];
	[tilespmem:s17+$0x20] =	vst v24  }
0xa2: {  	v60 =	vld [tilespmem:s9+$0x30]  }
0xa3: {  	v61 =	vld [tilespmem:s7+$0x30]  }
0xa4: {  	v62 =	vmul.f32 v20, v13;
	v13, _, _ =	vpop (xrf2);
	v35 =	vld [tilespmem:s20+$0x30]  }
0xa5: {  	v20 =	vmul.f32 v22, v16;
	v16 =	vbroadcast v13, $0xF  }
0xa6: {  	v21 =	vmul.f32 v25, v21;
	v22 =	vmul.f32 v28, v23  }
0xa7: {  	s12 =	simm.s32 $0x2;
	v23 =	vmul.f32 v30, v27;
	v25 =	vmul.f32 v31, v29;
	v29 =	vld [tilespmem:s8+$0x30]  }
0xa8: {  	s16 =	simm.s32 $0x98C0;
	s18 =	simm.s32 $0x78C0;
	s11 =	simm.s32 $0x88C0;
	vm1 =	vmmov vm1;
	v27, _, _ =	vpop (xrf2);
	v31 =	vmul.f32 v60, v17;
	v63 =	vmul.f32 v61, v18  }
0xa9: {  	s10 =	simm.s32 $0x80C0;
	s5 =	simm.s32 $0x80C0;
	v13 =	vimm.f32 $0.0e+00;
	s20 =	simm.s32 $0x78C0;
	v28, _, _ =	vpop (xrf2);
	v17 =	vbroadcast v27, $0xF;
	v30 =	vmul.f32 v35, v26  }
0xaa: {  	s7 =	simm.s32 $0x88C0;
	s9 =	simm.s32 $0x90C0;
	s8 =	simm.s32 $0x90C0;
	v27 =	vld [tilespmem:$0x77E0];
	v26 =	vadd.f32 $0.0e+00, v62;
	v18 =	vbroadcast v28, $0xF;
	v28, _, _ =	vpop (xrf2);
	v31 =	vadd.f32 v63, v31  }
.LBB2_3:
0xab: {  	p0 =	sne.s32 s12, $0xF;
	s13 =	smov.u32 s12;
	s12 =	sadd.s32 $0x1, s12  }
0xac: {  	v19 =	vmul.f32 v29, v19;
	v20 =	vadd.f32 v20, v26;
	v26 =	vadd.f32 v30, v31;
	_ =	sdelay $0x1  }
0xad: {  	v20 =	vadd.f32 v21, v20;
	v19 =	vadd.f32 v19, v26;
	_ =	sdelay $0x1  }
0xae: {  	v20 =	vadd.f32 v22, v20;
	[tilespmem:s17+$0x30] =	vst v19;
	s17 =	smov.u32 s16  }
0xaf: {  	v21 =	vld [tilespmem:$0x77F0]  }
0xb0: {  	v22 =	vld [tilespmem:s20+$0xFFFFFFC0];
	v20 =	vadd.f32 v23, v20  }
0xb1: {  	v23 =	vld [tilespmem:s5+$0xFFFFFFC0]  }
0xb2: {  	v24 =	vmul.f32 v27, v24;
	v20 =	vadd.f32 v25, v20  }
0xb3: {  	v25 =	vld [tilespmem:s7+$0xFFFFFFC0]  }
0xb4: {  	v20 =	vadd.f32 v24, v20;
	v19 =	vmul.f32 v21, v19  }
0xb5: {  	v21 =	vmul.f32 v22, v16;
	v22 =	vld [tilespmem:s9+$0xFFFFFFC0]  }
0xb6: {  	v23 =	vmul.f32 v23, v17;
	v20 =	vadd.f32 v19, v20;
	_ =	sdelay $0x1  }
0xb7: {  	v19 =	vbroadcast v28, $0xF;
	v21 =	vadd.f32 v23, v21;
	v23 =	vmul.f32 v25, v18;
	(xrf2) =	vadd.scan.msk.f32 $0xffff, v20;
	_ =	sdelay $0x1  }
0xb8: {  	v20 =	vadd.f32 v23, v21;
	v21 =	vmul.f32 v22, v19;
	_ =	sdelay $0x1  }
0xb9: {  	v20 =	vadd.f32 v21, v20;
	_ =	sdelay $0x1  }
0xba: {  	[tilespmem:s16+$0xFFFFFFC0] =	vst v20  }
0xbb: {  	v21 =	vld [tilespmem:s20+$0xFFFFFFD0]  }
0xbc: {  	v22 =	vld [tilespmem:s5+$0xFFFFFFD0];
	_ =	sdelay $0x1  }
0xbd: {  	v23 =	vld [tilespmem:s7+$0xFFFFFFD0];
	v24, _, _ =	vpop (xrf2)  }
0xbe: {  	v24 =	vbroadcast v24, $0xF  }
0xbf: {  	v21 =	vmul.f32 v21, v16;
	v25 =	vld [tilespmem:s9+$0xFFFFFFD0]  }
0xc0: {  	v22 =	vmul.f32 v22, v17;
	v13 =	vsel vm1, v24, v13;
	vm1 =	vmmov vm2;
	_ =	sdelay $0x1  }
0xc1: {  	v21 =	vadd.f32 v22, v21;
	v22 =	vmul.f32 v23, v18;
	_ =	sdelay $0x1  }
0xc2: {  	v21 =	vadd.f32 v22, v21;
	v22 =	vmul.f32 v25, v19;
	_ =	sdelay $0x1  }
0xc3: {  	v21 =	vadd.f32 v22, v21  }
0xc4: {  	v22 =	vld [tilespmem:$0x7780]  }
0xc5: {  	[tilespmem:s16+$0xFFFFFFD0] =	vst v21  }
0xc6: {  	v23 =	vld [tilespmem:s20+$0xFFFFFFE0]  }
0xc7: {  	v24 =	vld [tilespmem:s5+$0xFFFFFFE0];
	_ =	sdelay $0x1  }
0xc8: {  	v26 =	vmul.f32 v22, v20;
	v20 =	vld [tilespmem:s7+$0xFFFFFFE0];
	_ =	sdelay $0x1  }
0xc9: {  	v22 =	vmul.f32 v23, v16;
	v23 =	vld [tilespmem:s9+$0xFFFFFFE0]  }
0xca: {  	v24 =	vmul.f32 v24, v17;
	_ =	sdelay $0x1  }
0xcb: {  	v22 =	vadd.f32 v24, v22;
	v20 =	vmul.f32 v20, v18;
	_ =	sdelay $0x1  }
0xcc: {  	v20 =	vadd.f32 v20, v22;
	v22 =	vmul.f32 v23, v19;
	_ =	sdelay $0x1  }
0xcd: {  	v22 =	vadd.f32 v22, v20  }
0xce: {  	v20 =	vld [tilespmem:$0x7790]  }
0xcf: {  	[tilespmem:s16+$0xFFFFFFE0] =	vst v22  }
0xd0: {  	v23 =	vld [tilespmem:s5+$0xFFFFFFF0]  }
0xd1: {  	v24 =	vld [tilespmem:s20+$0xFFFFFFF0]  }
0xd2: {  	v25 =	vld [tilespmem:s7+$0xFFFFFFF0]  }
0xd3: {  	v20 =	vmul.f32 v20, v21;
	_ =	sdelay $0x1  }
0xd4: {  	v21 =	vmul.f32 v23, v17;
	v23 =	vld [tilespmem:s9+$0xFFFFFFF0]  }
0xd5: {  	v24 =	vmul.f32 v24, v16  }
0xd6: {  	v25 =	vmul.f32 v25, v18  }
0xd7: {  	v21 =	vadd.f32 v21, v24;
	_ =	sdelay $0x1  }
0xd8: {  	v21 =	vadd.f32 v25, v21;
	v23 =	vmul.f32 v23, v19;
	_ =	sdelay $0x1  }
0xd9: {  	v23 =	vadd.f32 v23, v21  }
0xda: {  	v21 =	vld [tilespmem:$0x77A0]  }
0xdb: {  	[tilespmem:s16+$0xFFFFFFF0] =	vst v23  }
0xdc: {  	v24 =	vld [tilespmem:s5+$0x0]  }
0xdd: {  	v25 =	vld [tilespmem:s20+$0x0]  }
0xde: {  	v27 =	vld [tilespmem:s7+$0x0]  }
0xdf: {  	v21 =	vmul.f32 v21, v22;
	_ =	sdelay $0x1  }
0xe0: {  	v22 =	vmul.f32 v24, v17;
	v24 =	vld [tilespmem:s9+$0x0]  }
0xe1: {  	v25 =	vmul.f32 v25, v16  }
0xe2: {  	v27 =	vmul.f32 v27, v18  }
0xe3: {  	v22 =	vadd.f32 v22, v25;
	_ =	sdelay $0x1  }
0xe4: {  	v22 =	vadd.f32 v27, v22;
	v24 =	vmul.f32 v24, v19;
	_ =	sdelay $0x1  }
0xe5: {  	v24 =	vadd.f32 v24, v22  }
0xe6: {  	v22 =	vld [tilespmem:$0x77B0]  }
0xe7: {  	[tilespmem:s16+$0x0] =	vst v24  }
0xe8: {  	v25 =	vld [tilespmem:s20+$0x10]  }
0xe9: {  	v27 =	vld [tilespmem:s5+$0x10]  }
0xea: {  	v28 =	vld [tilespmem:s7+$0x10]  }
0xeb: {  	v22 =	vmul.f32 v22, v23;
	v29 =	vld [tilespmem:s9+$0x10]  }
0xec: {  	v23 =	vld [tilespmem:$0x77C0]  }
0xed: {  	v25 =	vmul.f32 v25, v16  }
0xee: {  	v27 =	vmul.f32 v27, v17  }
0xef: {  	v28 =	vmul.f32 v28, v18  }
0xf0: {  	v25 =	vadd.f32 v27, v25  }
0xf1: {  	v23 =	vmul.f32 v23, v24  }
0xf2: {  	v24 =	vadd.f32 v28, v25;
	v25 =	vmul.f32 v29, v19;
	_ =	sdelay $0x1  }
0xf3: {  	v24 =	vadd.f32 v25, v24;
	_ =	sdelay $0x1  }
0xf4: {  	[tilespmem:s16+$0x10] =	vst v24  }
0xf5: {  	v25 =	vmov s13;
	v27 =	vld [tilespmem:s20+$0x20]  }
0xf6: {  	vm2 =	veq.s32 v25, v0;
	v25 =	vld [tilespmem:s5+$0x20]  }
0xf7: {  	v28 =	vnsel vm2, $0x0, v11;
	v29 =	vnsel vm2, $0x0, v12;
	v30 =	vnsel vm2, $0x0, v15;
	v31 =	vld [tilespmem:s7+$0x20]  }
0xf8: {  	v32 =	vnsel vm2, $0x0, v14;
	(xrf2) =	vadd.scan.msk.f32 $0xffff, v28;
	v28 =	vld [tilespmem:s9+$0x20]  }
0xf9: {  	v33 =	vld [tilespmem:$0x77D0]  }
0xfa: {  	v27 =	vmul.f32 v27, v16  }
0xfb: {  	(xrf2) =	vadd.scan.msk.f32 $0xffff, v29;
	v25 =	vmul.f32 v25, v17  }
0xfc: {  	v29 =	vmul.f32 v31, v18  }
0xfd: {  	v27 =	vadd.f32 v25, v27  }
0xfe: {  	(xrf2) =	vadd.scan.msk.f32 $0xffff, v32;
	v25 =	vmul.f32 v33, v24  }
0xff: {  	s20 =	sadd.s32 $0x80, s20;
	s5 =	sadd.s32 $0x80, s5;
	v28 =	vmul.f32 v28, v19;
	v24 =	vadd.f32 v29, v27;
	_ =	sdelay $0x1  }
0x100: {  	s7 =	sadd.s32 $0x80, s7;
	(xrf2) =	vadd.scan.msk.f32 $0xffff, v30;
	v24 =	vadd.f32 v28, v24  }
0x101: {  	v27, _, _ =	vpop (xrf2)  }
0x102: {  	s9 =	sadd.s32 $0x80, s9;
	[tilespmem:s16+$0x20] =	vst v24  }
0x103: {  	v28 =	vld [tilespmem:s18+$0x30];
	s18 =	smov.u32 s20  }
0x104: {  	v30 =	vbroadcast v27, $0xF;
	v27, _, _ =	vpop (xrf2);
	v31 =	vld [tilespmem:s10+$0x30];
	s10 =	smov.u32 s5  }
0x105: {  	v32 =	vbroadcast v27, $0xF;
	v33 =	vld [tilespmem:s11+$0x30];
	s11 =	smov.u32 s7  }
0x106: {  	v29 =	vld [tilespmem:s8+$0x30];
	s8 =	smov.u32 s9  }
.Ltmp0:
0x107: {  	v34, _, _ =	vpop (xrf2);
	v27 =	vld [tilespmem:$0x77E0];
	(pc) =	sbr.rel @p0 .LBB2_3-.Ltmp0, $4  }
0x108: {  	v34 =	vbroadcast v34, $0xF;
	v35 =	vmul.f32 v28, v16;
	v16 =	vmov v30  }
0x109: {  	v31 =	vmul.f32 v31, v17;
	v17 =	vmov v32  }
0x10a: {  	v28, _, _ =	vpop (xrf2);
	v30 =	vmul.f32 v33, v18;
	v18 =	vmov v34  }
0x10b: {  	v26 =	vadd.f32 $0.0e+00, v26;
	s16 =	sadd.s32 $0x80, s16;
	v31 =	vadd.f32 v31, v35  }
0x10c: {  	_ = 	snop  }
0x10d: {  	v12 =	vmul.f32 v29, v19;
	v11 =	vadd.f32 v30, v31;
	_ =	sdelay $0x1  }
0x10e: {  	v11 =	vadd.f32 v12, v11;
	_ =	sdelay $0x1  }
0x10f: {  	[tilespmem:s17+$0x30] =	vst v11  }
0x110: {  	v12 =	vld [tilespmem:s20+$0xFFFFFFC0]  }
0x111: {  	v14 =	vld [tilespmem:s5+$0xFFFFFFC0];
	_ =	sdelay $0x1  }
0x112: {  	v15 =	vld [tilespmem:s7+$0xFFFFFFC0];
	_ =	sdelay $0x1  }
0x113: {  	v40 =	vld [tilespmem:s9+$0xFFFFFFC0]  }
0x114: {  	v12 =	vmul.f32 v12, v16;
	v14 =	vmul.f32 v14, v17;
	_ =	sdelay $0x1  }
0x115: {  	v12 =	vadd.f32 v14, v12;
	v14 =	vmul.f32 v15, v18;
	v15 =	vbroadcast v28, $0xF;
	_ =	sdelay $0x1  }
0x116: {  	v12 =	vadd.f32 v14, v12;
	v14 =	vmul.f32 v40, v15;
	_ =	sdelay $0x1  }
0x117: {  	v12 =	vadd.f32 v14, v12;
	_ =	sdelay $0x1  }
0x118: {  	v14 =	vld [tilespmem:$0x77F0];
	[tilespmem:s16+$0xFFFFFFC0] =	vst v12  }
0x119: {  	v41 =	vld [tilespmem:s20+$0xFFFFFFD0]  }
0x11a: {  	v42 =	vld [tilespmem:s5+$0xFFFFFFD0];
	_ =	sdelay $0x1  }
0x11b: {  	v43 =	vld [tilespmem:s7+$0xFFFFFFD0];
	_ =	sdelay $0x1  }
0x11c: {  	v44 =	vld [tilespmem:s9+$0xFFFFFFD0]  }
0x11d: {  	v19 =	vmul.f32 v41, v16;
	v28 =	vmul.f32 v42, v17;
	_ =	sdelay $0x1  }
0x11e: {  	v45 =	vmul.f32 v43, v18;
	v19 =	vadd.f32 v28, v19;
	_ =	sdelay $0x1  }
0x11f: {  	v46 =	vmul.f32 v44, v15;
	v19 =	vadd.f32 v45, v19;
	_ =	sdelay $0x1  }
0x120: {  	v19 =	vadd.f32 v46, v19;
	_ =	sdelay $0x1  }
0x121: {  	v28 =	vld [tilespmem:$0x7780];
	[tilespmem:s16+$0xFFFFFFD0] =	vst v19  }
0x122: {  	v47 =	vld [tilespmem:s20+$0xFFFFFFE0]  }
0x123: {  	v48 =	vld [tilespmem:s5+$0xFFFFFFE0];
	_ =	sdelay $0x1  }
0x124: {  	v49 =	vld [tilespmem:s7+$0xFFFFFFE0];
	_ =	sdelay $0x1  }
0x125: {  	v32 =	vld [tilespmem:s9+$0xFFFFFFE0]  }
0x126: {  	v29 =	vmul.f32 v47, v16;
	v30 =	vmul.f32 v48, v17;
	_ =	sdelay $0x1  }
0x127: {  	v50 =	vmul.f32 v49, v18;
	v29 =	vadd.f32 v30, v29;
	_ =	sdelay $0x1  }
0x128: {  	v51 =	vmul.f32 v32, v15;
	v29 =	vadd.f32 v50, v29;
	_ =	sdelay $0x1  }
0x129: {  	v29 =	vadd.f32 v51, v29;
	_ =	sdelay $0x1  }
0x12a: {  	v30 =	vld [tilespmem:$0x7790];
	[tilespmem:s16+$0xFFFFFFE0] =	vst v29  }
0x12b: {  	v52 =	vld [tilespmem:s5+$0xFFFFFFF0]  }
0x12c: {  	v53 =	vld [tilespmem:s20+$0xFFFFFFF0];
	_ =	sdelay $0x1  }
0x12d: {  	v33 =	vld [tilespmem:s7+$0xFFFFFFF0];
	_ =	sdelay $0x1  }
0x12e: {  	v34 =	vld [tilespmem:s9+$0xFFFFFFF0]  }
0x12f: {  	v31 =	vmul.f32 v52, v17;
	v32 =	vmul.f32 v53, v16;
	_ =	sdelay $0x1  }
0x130: {  	v33 =	vmul.f32 v33, v18;
	v31 =	vadd.f32 v31, v32;
	_ =	sdelay $0x1  }
0x131: {  	v54 =	vmul.f32 v34, v15;
	v31 =	vadd.f32 v33, v31;
	_ =	sdelay $0x1  }
0x132: {  	v31 =	vadd.f32 v54, v31;
	_ =	sdelay $0x1  }
0x133: {  	v55 =	vld [tilespmem:$0x77A0];
	[tilespmem:s16+$0xFFFFFFF0] =	vst v31  }
0x134: {  	v56 =	vld [tilespmem:s5+$0x0]  }
0x135: {  	v57 =	vld [tilespmem:s20+$0x0];
	_ =	sdelay $0x1  }
0x136: {  	v35 =	vld [tilespmem:s7+$0x0];
	_ =	sdelay $0x1  }
0x137: {  	v36 =	vld [tilespmem:s9+$0x0]  }
0x138: {  	v33 =	vmul.f32 v56, v17;
	v34 =	vmul.f32 v57, v16;
	_ =	sdelay $0x1  }
0x139: {  	v35 =	vmul.f32 v35, v18;
	v33 =	vadd.f32 v33, v34;
	_ =	sdelay $0x1  }
0x13a: {  	v58 =	vmul.f32 v36, v15;
	v33 =	vadd.f32 v35, v33;
	_ =	sdelay $0x1  }
0x13b: {  	v33 =	vadd.f32 v58, v33;
	_ =	sdelay $0x1  }
0x13c: {  	v59 =	vld [tilespmem:$0x77B0];
	[tilespmem:s16+$0x0] =	vst v33  }
0x13d: {  	v60 =	vld [tilespmem:s20+$0x10]  }
0x13e: {  	v61 =	vld [tilespmem:s5+$0x10];
	_ =	sdelay $0x1  }
0x13f: {  	v37 =	vld [tilespmem:s7+$0x10];
	_ =	sdelay $0x1  }
0x140: {  	v38 =	vld [tilespmem:s9+$0x10]  }
0x141: {  	v35 =	vmul.f32 v60, v16;
	v36 =	vmul.f32 v61, v17;
	_ =	sdelay $0x1  }
0x142: {  	v37 =	vmul.f32 v37, v18;
	v35 =	vadd.f32 v36, v35;
	_ =	sdelay $0x1  }
0x143: {  	v62 =	vmul.f32 v38, v15;
	v35 =	vadd.f32 v37, v35;
	_ =	sdelay $0x1  }
0x144: {  	v35 =	vadd.f32 v62, v35;
	_ =	sdelay $0x1  }
0x145: {  	v63 =	vld [tilespmem:$0x77C0];
	[tilespmem:s16+$0x10] =	vst v35  }
0x146: {  	v44 =	vld [tilespmem:s20+$0x20]  }
0x147: {  	v45 =	vld [tilespmem:s5+$0x20];
	_ =	sdelay $0x1  }
0x148: {  	v39 =	vld [tilespmem:s7+$0x20];
	_ =	sdelay $0x1  }
0x149: {  	v40 =	vld [tilespmem:s9+$0x20]  }
0x14a: {  	v37 =	vmul.f32 v44, v16;
	v38 =	vmul.f32 v45, v17;
	_ =	sdelay $0x1  }
0x14b: {  	v39 =	vmul.f32 v39, v18;
	v37 =	vadd.f32 v38, v37;
	_ =	sdelay $0x1  }
0x14c: {  	v46 =	vmul.f32 v40, v15;
	v37 =	vadd.f32 v39, v37;
	_ =	sdelay $0x1  }
0x14d: {  	v37 =	vadd.f32 v46, v37;
	_ =	sdelay $0x1  }
0x14e: {  	v47 =	vld [tilespmem:$0x77D0];
	[tilespmem:s16+$0x20] =	vst v37  }
0x14f: {  	v48 =	vld [tilespmem:s18+$0x30]  }
0x150: {  	v49 =	vld [tilespmem:s10+$0x30];
	_ =	sdelay $0x1  }
0x151: {  	v41 =	vld [tilespmem:s11+$0x30];
	_ =	sdelay $0x1  }
0x152: {  	v12 =	vmul.f32 v28, v12;
	v50 =	vld [tilespmem:s8+$0x30]  }
0x153: {  	v51 =	vmul.f32 v48, v16;
	v52 =	vmul.f32 v49, v17  }
0x154: {  	v12 =	vadd.f32 $0.0e+00, v12;
	v19 =	vmul.f32 v30, v19  }
0x155: {  	v53 =	vmul.f32 v41, v18;
	v16 =	vadd.f32 v52, v51  }
0x156: {  	v12 =	vadd.f32 v19, v12;
	v54 =	vadd.f32 v20, v26  }
0x157: {  	v55 =	vmul.f32 v55, v29;
	v15 =	vmul.f32 v50, v15;
	v16 =	vadd.f32 v53, v16  }
0x158: {  	v17 =	vadd.f32 v21, v54  }
0x159: {  	v12 =	vadd.f32 v55, v12;
	v56 =	vmul.f32 v59, v31;
	v15 =	vadd.f32 v15, v16  }
0x15a: {  	v58 =	vld [tilespmem:$0x77E0];
	v57 =	vadd.f32 v22, v17  }
0x15b: {  	v12 =	vadd.f32 v56, v12;
	v59 =	vmul.f32 v63, v33;
	[tilespmem:s16+$0x30] =	vst v15  }
0x15c: {  	v16 =	vadd.f32 v23, v57;
	v60 =	vld [tilespmem:$0x77F0]  }
0x15d: {  	v12 =	vadd.f32 v59, v12;
	v61 =	vmul.f32 v47, v35  }
0x15e: {  	v62 =	vmul.f32 v27, v24;
	v16 =	vadd.f32 v25, v16  }
0x15f: {  	v12 =	vadd.f32 v61, v12;
	v17 =	vmul.f32 v58, v37  }
0x160: {  	v11 =	vmul.f32 v14, v11;
	v16 =	vadd.f32 v62, v16  }
0x161: {  	v12 =	vadd.f32 v17, v12;
	v14 =	vmul.f32 v60, v15  }
0x162: {  	v11 =	vadd.f32 v11, v16  }
0x163: {  	v12 =	vadd.f32 v14, v12  }
0x164: {  	(xrf2) =	vadd.scan.msk.f32 $0xffff, v11  }
0x165: {  	(xrf2) =	vadd.scan.msk.f32 $0xffff, v12;
	_ =	sdelay $0x8  }
0x166: {  	v11, _, _ =	vpop (xrf2)  }
0x167: {  	v11 =	vbroadcast v11, $0xF;
	v12, _, _ =	vpop (xrf2)  }
0x168: {  	v12 =	vbroadcast v12, $0xF  }
0x169: {  	v11 =	vsel vm1, v11, v13;
	vm1 =	vmmov vm2  }
0x16a: {  	v11 =	vsel vm1, v12, v11  }
0x16b: {  	v10 =	vadd.f32 v11, v10;
	_ =	sdelay $0x1  }
0x16c: {  	v11 =	vmul.f32 $2.000000030e-01, v10  }
0x16d: {  	vm1 =	vgt.f32 v10, $0.0e+00  }
0x16e: {  	v10 =	vsel vm1, v10, v11  }
0x16f: {  	v10 =	vmul.f32 $1.442695020e+00, v10;
	_ =	sdelay $0x1  }
0x170: {  	(erf) = vpow2.f32 v10;
	_ =	sdelay $0x4  }
0x171: {  	s17 =	sadd.s32 s4, s1  }
0x172: {  	s18 =	simm.s32 $0x0;
	v10 =	vmov s17  }
0x173: {  	v11 =	vmov s18  }
0x174: {  	vm2 =	veq.s32 v11, v0;
	vm1 =	vlt.u32 v10, v1  }
0x175: {  	vm3 =	vmand vm2, vm1;
	v10 =	vpop (erf)  }
0x176: {  	v11 =	vnsel vm3, $0x0, v10  }
0x177: {  	(xrf2) =	vadd.scan.msk.f32 $0xffff, v11;
	_ =	sdelay $0x2  }
0x178: {  	v11 =	vand.u32 $0x7F, v9  }
0x179: {  	v12 =	vnsel vm2, $0x0, v11  }
0x17a: {  	(xrf0) =	vadd.scan.msk.s32 $0xffff, v12;
	_ =	sdelay $0x1  }
0x17b: {  	s5 =	simm.s32 $0x9840  }
0x17c: {  	v12 =	vld [tilespmem:s5+$0xFFFFFFC0];
	_ =	sdelay $0x1  }
0x17d: {  	v13, _, _ =	vpop (xrf2)  }
0x17e: {  	v14, _, _ =	vpop (xrf0);
	v13 =	vbroadcast v13, $0xF  }
0x17f: {  	v14 =	vbroadcast v14, $0xF  }
0x180: {  	v12 =	vmul.f32 v12, v13  }
0x181: {  	s7 =	simm.s32 $0xA040;
	vm2 =	veq.s32 v14, v0  }
0x182: {  	s9 =	simm.s32 $0xA840;
	[tilespmem:s7+$0xFFFFFFC0] =	vst v12;
	v12 =	vnsel vm2, $0x0, v13  }
0x183: {  	[tilespmem:s9+$0xFFFFFFC0] =	vst v12  }
0x184: {  	v12 =	vld [tilespmem:s5+$0xFFFFFFD0];
	_ =	sdelay $0x4  }
0x185: {  	v12 =	vmul.f32 v12, v13  }
0x186: {  	vm2 =	veq.s32 v14, v2  }
0x187: {  	[tilespmem:s7+$0xFFFFFFD0] =	vst v12;
	v12 =	vnsel vm2, $0x0, v13  }
0x188: {  	[tilespmem:s9+$0xFFFFFFD0] =	vst v12  }
0x189: {  	v12 =	vld [tilespmem:s5+$0xFFFFFFE0];
	_ =	sdelay $0x4  }
0x18a: {  	v12 =	vmul.f32 v12, v13  }
0x18b: {  	vm2 =	veq.s32 v14, v3  }
0x18c: {  	[tilespmem:s7+$0xFFFFFFE0] =	vst v12;
	v12 =	vnsel vm2, $0x0, v13  }
0x18d: {  	[tilespmem:s9+$0xFFFFFFE0] =	vst v12  }
0x18e: {  	v12 =	vld [tilespmem:s5+$0xFFFFFFF0];
	_ =	sdelay $0x4  }
0x18f: {  	v12 =	vmul.f32 v12, v13  }
0x190: {  	vm2 =	veq.s32 v14, v4  }
0x191: {  	[tilespmem:s7+$0xFFFFFFF0] =	vst v12;
	v12 =	vnsel vm2, $0x0, v13  }
0x192: {  	[tilespmem:s9+$0xFFFFFFF0] =	vst v12  }
0x193: {  	v12 =	vld [tilespmem:s5+$0x0];
	_ =	sdelay $0x4  }
0x194: {  	v12 =	vmul.f32 v12, v13  }
0x195: {  	vm2 =	veq.s32 v14, v5  }
0x196: {  	[tilespmem:s7+$0x0] =	vst v12;
	v12 =	vnsel vm2, $0x0, v13  }
0x197: {  	[tilespmem:s9+$0x0] =	vst v12  }
0x198: {  	v12 =	vld [tilespmem:s5+$0x10];
	_ =	sdelay $0x4  }
0x199: {  	v12 =	vmul.f32 v12, v13  }
0x19a: {  	vm2 =	veq.s32 v14, v6  }
0x19b: {  	[tilespmem:s7+$0x10] =	vst v12;
	v12 =	vnsel vm2, $0x0, v13  }
0x19c: {  	[tilespmem:s9+$0x10] =	vst v12  }
0x19d: {  	v12 =	vld [tilespmem:s5+$0x20];
	_ =	sdelay $0x4  }
0x19e: {  	v12 =	vmul.f32 v12, v13  }
0x19f: {  	vm2 =	veq.s32 v14, v7  }
0x1a0: {  	[tilespmem:s7+$0x20] =	vst v12;
	v12 =	vnsel vm2, $0x0, v13  }
0x1a1: {  	[tilespmem:s9+$0x20] =	vst v12  }
0x1a2: {  	s20 =	simm.s32 $0x1;
	v12 =	vld [tilespmem:s5+$0x30]  }
0x1a3: {  	v15 =	vmov s20  }
0x1a4: {  	vm3 =	veq.s32 v15, v0  }
0x1a5: {  	v15 =	vnsel vm3, $0x0, v11  }
0x1a6: {  	(xrf0) =	vadd.scan.msk.s32 $0xffff, v15;
	vm2 =	vmand vm3, vm1  }
0x1a7: {  	v15 =	vmul.f32 v12, v13;
	v12 =	vnsel vm2, $0x0, v10  }
0x1a8: {  	(xrf2) =	vadd.scan.msk.f32 $0xffff, v12;
	_ =	sdelay $0x3  }
0x1a9: {  	v63, _, _ =	vpop (xrf0);
	vm2 =	veq.s32 v14, v8  }
0x1aa: {  	s12 =	simm.s32 $0x2;
	s8 =	simm.s32 $0xA8C0;
	v12 =	vbroadcast v63, $0xF;
	v13 =	vnsel vm2, $0x0, v13;
	[tilespmem:s7+$0x30] =	vst v15  }
.LBB2_5:
0x1ab: {  	s5 =	sadd.s32 $0x80, s5;
	s7 =	sadd.s32 $0x80, s7  }
0x1ac: {  	[tilespmem:s9+$0x30] =	vst v13;
	s11 =	smov.u32 s12;
	s10 =	sadd.s32 $0x1, s12;
	s9 =	smov.u32 s8  }
0x1ad: {  	p0 =	sne.s32 s12, $0xF;
	v13 =	vld [tilespmem:s5+$0xFFFFFFC0];
	_ =	sdelay $0x1  }
0x1ae: {  	v14, _, _ =	vpop (xrf2)  }
0x1af: {  	v14 =	vbroadcast v14, $0xF;
	_ =	sdelay $0x1  }
0x1b0: {  	v13 =	vmul.f32 v13, v14  }
0x1b1: {  	vm2 =	veq.s32 v12, v0  }
0x1b2: {  	[tilespmem:s7+$0xFFFFFFC0] =	vst v13;
	v13 =	vnsel vm2, $0x0, v14  }
0x1b3: {  	[tilespmem:s8+$0xFFFFFFC0] =	vst v13  }
0x1b4: {  	v13 =	vld [tilespmem:s5+$0xFFFFFFD0];
	_ =	sdelay $0x4  }
0x1b5: {  	v13 =	vmul.f32 v13, v14  }
0x1b6: {  	vm2 =	veq.s32 v12, v2  }
0x1b7: {  	[tilespmem:s7+$0xFFFFFFD0] =	vst v13;
	v13 =	vnsel vm2, $0x0, v14  }
0x1b8: {  	[tilespmem:s8+$0xFFFFFFD0] =	vst v13  }
0x1b9: {  	v13 =	vld [tilespmem:s5+$0xFFFFFFE0];
	_ =	sdelay $0x4  }
0x1ba: {  	v13 =	vmul.f32 v13, v14  }
0x1bb: {  	vm2 =	veq.s32 v12, v3  }
0x1bc: {  	[tilespmem:s7+$0xFFFFFFE0] =	vst v13;
	v13 =	vnsel vm2, $0x0, v14  }
0x1bd: {  	[tilespmem:s8+$0xFFFFFFE0] =	vst v13  }
0x1be: {  	v13 =	vld [tilespmem:s5+$0xFFFFFFF0];
	_ =	sdelay $0x4  }
0x1bf: {  	v13 =	vmul.f32 v13, v14  }
0x1c0: {  	vm2 =	veq.s32 v12, v4  }
0x1c1: {  	[tilespmem:s7+$0xFFFFFFF0] =	vst v13;
	v13 =	vnsel vm2, $0x0, v14  }
0x1c2: {  	[tilespmem:s8+$0xFFFFFFF0] =	vst v13  }
0x1c3: {  	v13 =	vld [tilespmem:s5+$0x0];
	_ =	sdelay $0x4  }
0x1c4: {  	v13 =	vmul.f32 v13, v14  }
0x1c5: {  	vm2 =	veq.s32 v12, v5  }
0x1c6: {  	[tilespmem:s7+$0x0] =	vst v13;
	v13 =	vnsel vm2, $0x0, v14  }
0x1c7: {  	[tilespmem:s8+$0x0] =	vst v13  }
0x1c8: {  	v13 =	vld [tilespmem:s5+$0x10];
	_ =	sdelay $0x4  }
0x1c9: {  	v13 =	vmul.f32 v13, v14  }
0x1ca: {  	vm2 =	veq.s32 v12, v6  }
0x1cb: {  	[tilespmem:s7+$0x10] =	vst v13;
	v13 =	vnsel vm2, $0x0, v14  }
0x1cc: {  	[tilespmem:s8+$0x10] =	vst v13  }
0x1cd: {  	v13 =	vld [tilespmem:s5+$0x20];
	_ =	sdelay $0x4  }
0x1ce: {  	v13 =	vmul.f32 v13, v14  }
0x1cf: {  	v15 =	vmov s11;
	vm2 =	veq.s32 v12, v7  }
0x1d0: {  	vm3 =	veq.s32 v15, v0;
	[tilespmem:s7+$0x20] =	vst v13;
	v13 =	vnsel vm2, $0x0, v14  }
0x1d1: {  	v15 =	vnsel vm3, $0x0, v11;
	vm2 =	vmand vm3, vm1;
	[tilespmem:s8+$0x20] =	vst v13  }
0x1d2: {  	v13 =	vnsel vm2, $0x0, v10;
	(xrf0) =	vadd.scan.msk.s32 $0xffff, v15;
	v15 =	vld [tilespmem:s5+$0x30]  }
0x1d3: {  	(xrf2) =	vadd.scan.msk.f32 $0xffff, v13;
	_ =	sdelay $0x1  }
.Ltmp1:
0x1d4: {  	(pc) =	sbr.rel @p0 .LBB2_5-.Ltmp1, $4  }
0x1d5: {  	_ = 	snop  }
0x1d6: {  	v13 =	vmul.f32 v15, v14  }
0x1d7: {  	vm2 =	veq.s32 v12, v8;
	v15, _, _ =	vpop (xrf0)  }
0x1d8: {  	s12 =	smov.u32 s10;
	s8 =	sadd.s32 $0x80, s8;
	v12 =	vbroadcast v15, $0xF;
	[tilespmem:s7+$0x30] =	vst v13;
	v13 =	vnsel vm2, $0x0, v14  }
0x1d9: {  	[tilespmem:s9+$0x30] =	vst v13;
	s5 =	sadd.s32 $0x80, s5  }
0x1da: {  	v10 =	vld [tilespmem:s5+$0xFFFFFFC0];
	_ =	sdelay $0x1  }
0x1db: {  	v11, _, _ =	vpop (xrf2)  }
0x1dc: {  	v11 =	vbroadcast v11, $0xF;
	_ =	sdelay $0x1  }
0x1dd: {  	v10 =	vmul.f32 v10, v11  }
0x1de: {  	s7 =	sadd.s32 $0x80, s7;
	vm1 =	veq.s32 v12, v0  }
0x1df: {  	[tilespmem:s7+$0xFFFFFFC0] =	vst v10;
	v10 =	vnsel vm1, $0x0, v11  }
0x1e0: {  	[tilespmem:s8+$0xFFFFFFC0] =	vst v10  }
0x1e1: {  	v10 =	vld [tilespmem:s5+$0xFFFFFFD0];
	_ =	sdelay $0x4  }
0x1e2: {  	v10 =	vmul.f32 v10, v11  }
0x1e3: {  	vm1 =	veq.s32 v12, v2  }
0x1e4: {  	[tilespmem:s7+$0xFFFFFFD0] =	vst v10;
	v10 =	vnsel vm1, $0x0, v11  }
0x1e5: {  	[tilespmem:s8+$0xFFFFFFD0] =	vst v10  }
0x1e6: {  	v10 =	vld [tilespmem:s5+$0xFFFFFFE0];
	_ =	sdelay $0x4  }
0x1e7: {  	v10 =	vmul.f32 v10, v11  }
0x1e8: {  	vm1 =	veq.s32 v12, v3  }
0x1e9: {  	[tilespmem:s7+$0xFFFFFFE0] =	vst v10;
	v10 =	vnsel vm1, $0x0, v11  }
0x1ea: {  	[tilespmem:s8+$0xFFFFFFE0] =	vst v10  }
0x1eb: {  	v10 =	vld [tilespmem:s5+$0xFFFFFFF0];
	_ =	sdelay $0x4  }
0x1ec: {  	v10 =	vmul.f32 v10, v11  }
0x1ed: {  	vm1 =	veq.s32 v12, v4  }
0x1ee: {  	[tilespmem:s7+$0xFFFFFFF0] =	vst v10;
	v10 =	vnsel vm1, $0x0, v11  }
0x1ef: {  	[tilespmem:s8+$0xFFFFFFF0] =	vst v10  }
0x1f0: {  	v10 =	vld [tilespmem:s5+$0x0];
	_ =	sdelay $0x4  }
0x1f1: {  	v10 =	vmul.f32 v10, v11  }
0x1f2: {  	vm1 =	veq.s32 v12, v5  }
0x1f3: {  	[tilespmem:s7+$0x0] =	vst v10;
	v10 =	vnsel vm1, $0x0, v11  }
0x1f4: {  	[tilespmem:s8+$0x0] =	vst v10  }
0x1f5: {  	v10 =	vld [tilespmem:s5+$0x10];
	_ =	sdelay $0x4  }
0x1f6: {  	v10 =	vmul.f32 v10, v11  }
0x1f7: {  	vm1 =	veq.s32 v12, v6  }
0x1f8: {  	[tilespmem:s7+$0x10] =	vst v10;
	v10 =	vnsel vm1, $0x0, v11  }
0x1f9: {  	[tilespmem:s8+$0x10] =	vst v10  }
0x1fa: {  	v10 =	vld [tilespmem:s5+$0x20];
	_ =	sdelay $0x4  }
0x1fb: {  	v10 =	vmul.f32 v10, v11  }
0x1fc: {  	vm1 =	veq.s32 v12, v7  }
0x1fd: {  	[tilespmem:s7+$0x20] =	vst v10;
	v10 =	vnsel vm1, $0x0, v11  }
0x1fe: {  	[tilespmem:s8+$0x20] =	vst v10  }
0x1ff: {  	v10 =	vld [tilespmem:s5+$0x30];
	_ =	sdelay $0x4  }
0x200: {  	v10 =	vmul.f32 v10, v11  }
0x201: {  	vm1 =	veq.s32 v12, v8  }
0x202: {  	[tilespmem:s7+$0x30] =	vst v10;
	v10 =	vnsel vm1, $0x0, v11;
	v11 =	vshrl.u32 v9, $0x7  }
0x203: {  	[tilespmem:s8+$0x30] =	vst v10;
	v10 =	vadd.s32 $0x2800, v11  }
0x204: {  	[spmem:s2] =	stream.indirect_vreg.scatter.add.f32 [tilespmem:s29], [sflag:$0x2], $0x80, v9, vm0, $0xb8;
	[tilespmem:$0x1F800] =	vst v63  }
0x205: {  	s0 =	sadd.s32 $0x1, s0;
	_ =	swait.ge [sflag:s15], $0x800  }
0x206: {  	p0 =	sne.s32 s0, $0x139;
	[sflag:s15] =	ssyncset.done $0x0  }
.Ltmp2:
0x207: {  	[sflag:s15] =	ssyncadd.s32 $0xFFFFF800;
	(pc) =	sbr.rel @p0 .LBB2_2-.Ltmp2, $4  }
0x208: {  	[spmem:s2] =	stream.indirect_vreg.scatter.add.f32 [tilespmem:s30], [sflag:$0x2], $0x80, v10, vm0, $0xb8;
	[tilespmem:$0x1F800] =	vst v63  }
0x209: {  	_ =	swait.ge [sflag:s15], $0x800  }
0x20a: {  	[sflag:s15] =	ssyncset.done $0x0  }
0x20b: {  	s1 =	sadd.s32 $0x10, s1;
	[sflag:s15] =	ssyncadd.s32 $0xFFFFF800  }
0x20c: {  	s31 =	sadd.s32 $0x1, s31  }
0x20d: {  	[bflag:$0x0] =	sbarrier.arrive $0xFFFF;
	p0 =	sne.s32 s31, s14  }
.Ltmp3:
0x20e: {  	s0 =	rddreg [dreg:$0xb];
	(pc) =	sbr.rel @p0 .LBB2_1-.Ltmp3, $4  }
0x20f: {  	[hbm:s0], [sflag:s21] =	dma.local [spmem:s22], $0x2900  }
0x210: {  	_ =	swait.ge [sflag:s15], $0x2900  }
0x211: {  	[sflag:s15] =	ssyncset.done $0x0  }
0x212: {  	[sflag:s15] =	ssyncadd.s32 $0xFFFFD700  }
0x213: {  	_ =	sfence.sel $0x180000  }
0x214: {  	[bflag:$0x0] =	sbarrier.arrive $0xFFFF  }
0x215: {  	_ =	strace $0x90000047  }
0x216: {  	s0 =	stileid.u32;
	[bflag:$0x2] =	sbarrier.arrive $0xFFFF  }
0x217: {  	p0 =	sne.s32 s0, $0x0;
	s0 =	rddreg [dreg:$0x3]  }
0x218: {  	s0 =	sadd.s32 @!p0 $0x100000, s0  }
0x219: {  	[sflag:s0] =	ssyncadd.tile.s32 @!p0 $0x1;
	_ =	shalt  }
.Lfunc_end2:
_tile_overlayer_lowered:
.L_overlay_start_2:
0x21a: {  	(tag) =	ssettag $0x2  }
0x21b: {  	s0 =	rddreg [dreg:$0x0];
	s2 =	stileid.u32  }
0x21c: {  	s1 =	rddreg [dreg:$0x1];
	p0 =	sne.s32 s2, $0x0  }
0x21d: {  	s3 =	rddreg [dreg:$0x2];
	[bflag:$0x3] =	sbarrier.arrive $0xFFFF;
	s2 =	simm.s32 @!p0 $0x1C02  }
0x21e: {  	[timem:s3], [sflag:s2] =	dma.local @!p0 [hbm:s0], s1  }
0x21f: {  	s0 =	simm.s32 @!p0 $0x2  }
0x220: {  	_ =	swait.ge @!p0 [sflag:s0], s1  }
0x221: {  	s1 =	ssub.s32 @!p0 $0x0, s1;
	[sflag:s0] =	ssyncset.done @!p0 $0x0  }
0x222: {  	[sflag:s0] =	ssyncadd.s32 @!p0 s1  }
0x223: {  	[bflag:$0x3] =	sbarrier.arrive $0xFFFF  }
0x224: {  	_ =	shalt  }

// kernel: kernel.8.cloned.1.call-start
scs
__scs_entry_jumppad:
0x0: {  	(pc) =	sbr.rel $0x88, $3  }
0x1: {  	(tag) =	ssettag $0x0;
	lr =	simm.s32 $0x1  }
0x2: {  	[smem:$0x3F9A] =	sst lr;
	_ =	strace $0xD0000000  }
0x3: {  	_ = 	snop  }
0x4: {  	_ = 	snop  }
0x5: {  	_ = 	snop  }
0x6: {  	_ = 	snop  }
0x7: {  	_ = 	snop  }
__scs_overlays_trampoline_lowered:
0x8: {  	[smem:$0x3FA9] =	sst s0  }
0x9: {  	[smem:$0x3FAA] =	sst s1  }
0xa: {  	[smem:$0x3FAB] =	sst s2  }
0xb: {  	[smem:$0x3FAC] =	sst s3  }
0xc: {  	[smem:$0x3FAD] =	sst s4  }
0xd: {  	[smem:$0x3FAE] =	sst s5  }
0xe: {  	[smem:$0x3FAF] =	sst s6  }
0xf: {  	[smem:$0x3FB0] =	sst s7  }
0x10: {  	[smem:$0x3FB1] =	sst s8  }
0x11: {  	[smem:$0x3FB2] =	sst s9;
	s0 =	simm.s32 @!p0 $0x0  }
0x12: {  	s1 =	sld [smem:$0x3F98];
	s0 =	simm.s32 @p0 $0x1  }
0x13: {  	[smem:$0x3FB3] =	sst s0;
	s0 =	simm.s32 @!p1 $0x0  }
0x14: {  	s2 =	sld [smem:$0x3F97];
	s0 =	simm.s32 @p1 $0x1  }
0x15: {  	[smem:$0x3FB4] =	sst s0;
	s0 =	simm.s32 @!p2 $0x0  }
0x16: {  	s3 =	sld [smem:$0x3FDB];
	s0 =	simm.s32 @p2 $0x1  }
0x17: {  	s4 =	simm.s32 $0x1BF5;
	[smem:$0x3FB6] =	sst s0  }
0x18: {  	s0 =	sld [smem:$0x3F99];
	_ =	swait.ge [sflag:s4], $0x0  }
0x19: {  	s7 =	sld [smem:$0x3F9A]  }
0x1a: {  	s8 =	sadd.s32 $0xFFFFE003, lr  }
0x1b: {  	s9 =	sadd.s32 $0xFFFFFEF7, lr;
	s5 =	simm.s32 $0xFFFFFFFF;
	p2 =	slt.u32 s8, $0xFFFFF086  }
0x1c: {  	p1 =	slt.u32 s9, $0xF7A;
	s5 =	simm.s32 @!p2 $0x0  }
0x1d: {  	s5 =	simm.s32 @p1 $0x1;
	p0 =	seq.s32 s7, s2  }
0x1e: {  	s7 =	smul.u32 @!p0 $0xF7A, s2;
	p2 =	seq.s32 @!p0 s5, $0x0  }
0x1f: {  	s9 =	smul.u32 $0xF7A, s1;
	s8 =	simm.s32 @!p0 $0x1BF5;
	p2 =	por !p2, p0  }
0x20: {  	[sflag:s8] =	ssyncset.s32 @!p0 $0xFFFFF086;
	s6 =	sadd.s32 @!p0 s3, s7;
	s7 =	simm.s32 @!p0 $0x108  }
0x21: {  	s3 =	sadd.s32 s3, s9;
	s6 =	sadd.s32 @!p0 $0x88, s6;
	s7 =	simm.s32 @p2 $0x1082  }
0x22: {  	[simem:s7], [sflag:s8] =	dma.local @!p0 [hbm:s6], $0xF7A  }
0x23: {  	s9 =	sor.u32 $0xD0000000, s2;
	s6 =	simm.s32 $0x108;
	_ =	swait.ge @!p0 [sflag:s8], $0x0  }
0x24: {  	s3 =	sadd.s32 $0x88, s3;
	s6 =	simm.s32 @!p1 $0x1082;
	[sflag:s4] =	ssyncset.s32 $0xFFFFF086  }
0x25: {  	[simem:s6], [sflag:s4] =	dma.local [hbm:s3], $0xF7A  }
0x26: {  	[smem:$0x3F9A] =	sst s1;
	(tag) =	ssettag s2;
	_ =	strace s9  }
0x27: {  	s1 =	sld [smem:$0x3FAA]  }
0x28: {  	s2 =	sld [smem:$0x3FAB]  }
0x29: {  	s4 =	sld [smem:$0x3FAD]  }
0x2a: {  	p0 =	seq.s32 s5, $0x0;
	s5 =	sld [smem:$0x3FAE]  }
0x2b: {  	s6 =	sld [smem:$0x3FAF]  }
0x2c: {  	s7 =	sld [smem:$0x3FB0]  }
0x2d: {  	s3 =	simm.s32 $0x108;
	s8 =	sld [smem:$0x3FB1]  }
0x2e: {  	s3 =	simm.s32 @!p0 $0x1082;
	s9 =	sld [smem:$0x3FB2]  }
0x2f: {  	lr =	sadd.s32 s0, s3;
	s0 =	sld [smem:$0x3FA9]  }
0x30: {  	s3 =	sld [smem:$0x3FAC]  }
0x31: {  	[smem:$0x3FB5] =	sst s10  }
0x32: {  	s10 =	sld [smem:$0x3FB3];
	_ =	sdelay $0x3  }
0x33: {  	p0 =	seq.s32 s10, $0x1;
	s10 =	sld [smem:$0x3FB5];
	_ =	sdelay $0x3  }
0x34: {  	[smem:$0x3FB5] =	sst s10  }
0x35: {  	s10 =	sld [smem:$0x3FB4];
	_ =	sdelay $0x3  }
0x36: {  	p1 =	seq.s32 s10, $0x1;
	s10 =	sld [smem:$0x3FB5];
	_ =	sdelay $0x3  }
0x37: {  	[smem:$0x3FB5] =	sst s10  }
0x38: {  	s10 =	sld [smem:$0x3FB6]  }
0x39: {  	_ = 	snop;
	(pc) =	sbr.ind lr, $3  }
0x3a: {  	_ = 	snop  }
0x3b: {  	_ = 	snop  }
0x3c: {  	p2 =	seq.s32 s10, $0x1;
	s10 =	sld [smem:$0x3FB5]  }
0x3d: {  	_ =	shalt  }
0x3e: {  	_ =	shalt  }
0x3f: {  	_ =	shalt  }
0x40: {  	_ =	shalt  }
0x41: {  	_ =	shalt  }
0x42: {  	_ =	shalt  }
0x43: {  	_ =	shalt  }
0x44: {  	_ =	shalt  }
0x45: {  	_ =	shalt  }
0x46: {  	_ =	shalt  }
0x47: {  	_ =	shalt  }
0x48: {  	_ =	shalt  }
0x49: {  	_ =	shalt  }
0x4a: {  	_ =	shalt  }
0x4b: {  	_ =	shalt  }
0x4c: {  	_ =	shalt  }
0x4d: {  	_ =	shalt  }
0x4e: {  	_ =	shalt  }
0x4f: {  	_ =	shalt  }
0x50: {  	_ =	shalt  }
0x51: {  	_ =	shalt  }
0x52: {  	_ =	shalt  }
0x53: {  	_ =	shalt  }
0x54: {  	_ =	shalt  }
0x55: {  	_ =	shalt  }
0x56: {  	_ =	shalt  }
0x57: {  	_ =	shalt  }
0x58: {  	_ =	shalt  }
0x59: {  	_ =	shalt  }
0x5a: {  	_ =	shalt  }
0x5b: {  	_ =	shalt  }
0x5c: {  	_ =	shalt  }
0x5d: {  	_ =	shalt  }
0x5e: {  	_ =	shalt  }
0x5f: {  	_ =	shalt  }
0x60: {  	_ =	shalt  }
0x61: {  	_ =	shalt  }
0x62: {  	_ =	shalt  }
0x63: {  	_ =	shalt  }
0x64: {  	_ =	shalt  }
0x65: {  	_ =	shalt  }
0x66: {  	_ =	shalt  }
0x67: {  	_ =	shalt  }
0x68: {  	_ =	shalt  }
0x69: {  	_ =	shalt  }
0x6a: {  	_ =	shalt  }
0x6b: {  	_ =	shalt  }
0x6c: {  	_ =	shalt  }
0x6d: {  	_ =	shalt  }
0x6e: {  	_ =	shalt  }
0x6f: {  	_ =	shalt  }
0x70: {  	_ =	shalt  }
0x71: {  	_ =	shalt  }
0x72: {  	_ =	shalt  }
0x73: {  	_ =	shalt  }
0x74: {  	_ =	shalt  }
0x75: {  	_ =	shalt  }
0x76: {  	_ =	shalt  }
0x77: {  	_ =	shalt  }
0x78: {  	_ =	shalt  }
0x79: {  	_ =	shalt  }
0x7a: {  	_ =	shalt  }
0x7b: {  	_ =	shalt  }
0x7c: {  	_ =	shalt  }
0x7d: {  	_ =	shalt  }
0x7e: {  	_ =	shalt  }
0x7f: {  	_ =	shalt  }
0x80: {  	_ =	shalt  }
0x81: {  	_ =	shalt  }
0x82: {  	_ =	shalt  }
0x83: {  	_ =	shalt  }
0x84: {  	_ =	shalt  }
0x85: {  	_ =	shalt  }
0x86: {  	_ =	shalt  }
0x87: {  	_ =	shalt  }
.Lfunc_end0:
.L_simem_size_0:
called_computation.1_lowered:
.L_overlay_start_0:
0x88: {  	s2 =	sld [smem:$0x3FD9]  }
0x89: {  	s3 =	sld [smem:$0x3FFE];
	_ =	sdelay $0x1  }
0x8a: {  	s1 =	srdreg.scid  }
0x8b: {  	s0 =	sand.u32 $0x1, s1  }
0x8c: {  	s17 =	sshll.u32 s0, $0xA;
	s2 =	sadd.s32 s3, s2  }
0x8d: {  	s2 =	sadd.s32 s2, s17  }
0x8e: {  	[smem:$0x3FC1] =	sst s2  }
0x8f: {  	_ = 	snop  }
0x90: {  	s2 =	sld [smem:$0x3FC3];
	(tm) =	ssettm $0x1  }
0x91: {  	s18 =	sld [smem:$0x3FFB];
	_ =	sdelay $0x3  }
0x92: {  	_ =	strace s18  }
0x93: {  	s3 =	sld [smem:$0x3FFC];
	_ =	sdelay $0x3  }
0x94: {  	_ =	strace s3  }
0x95: {  	s3 =	sld [smem:$0x3FFD];
	_ =	sdelay $0x3  }
0x96: {  	_ =	strace s3  }
0x97: {  	_ =	strace $0x8FFFFFFF  }
0x98: {  	s19 =	sld [smem:$0x3FDB];
	_ =	sdelay $0x1  }
0x99: {  	s4 =	simm.s32 $_scs_section_size  }
0x9a: {  	s5 =	simm.s32 $_size__tile_overlayer_lowered;
	s6 =	simm.s32 $_tile_overlayer_lowered  }
0x9b: {  	s22 =	simm.s32 $0x1BFF;
	s21 =	sshll.u32 s6, $0x1;
	s3 =	sadd.s32 s4, s19  }
0x9c: {  	s7 =	simm.s32 $0x0;
	s20 =	sshll.u32 s5, $0x1;
	s5 =	sadd.s32 s21, s3  }
0x9d: {  	[timem:s7], [sflag:s22] =	dma.local [hbm:s5], s20  }
0x9e: {  	_ =	swait.ge [sflag:s22], s20  }
0x9f: {  	s4 =	ssub.s32 $0x0, s20;
	[sflag:s22] =	ssyncset.done $0x0  }
0xa0: {  	[sflag:s22] =	ssyncadd.s32 s4;
	_ =	sdelay $0x1  }
0xa1: {  	s23 =	simm.s32 $0x1B8B  }
0xa2: {  	_ =	swait.ge [sflag:s23], $0x1  }
0xa3: {  	[sflag:s23] =	ssyncset.done $0x0  }
0xa4: {  	s25 =	simm.s32 $0x1B8E;
	s24 =	sld [smem:$0x3FFE];
	[sflag:s23] =	ssyncadd.s32 $0xFFFFFFFF  }
0xa5: {  	s26 =	simm.s32 $execute0_lowered;
	[smem:$0x3FD2] =	sst s25  }
0xa6: {  	s5 =	sshll.u32 s26, $0x1;
	_ =	strace $0x80000049;
	[dreg:$0x1] =	wrdreg $0xFFFFFFFF  }
0xa7: {  	s28 =	simm.s32 $_size_execute0_lowered;
	s3 =	sadd.s32 s3, s5;
	[dreg:$0x0] =	wrdreg $0x0  }
0xa8: {  	s5 =	sshll.u32 s28, $0x1;
	[dreg:$0x2] =	wrdreg s3  }
0xa9: {  	[dreg:$0x3] =	wrdreg s5  }
0xaa: {  	[dreg:$0x4] =	wrdreg $0xC0  }
0xab: {  	_ =	task [dreg:s7], $0x5FFFF  }
0xac: {  	[dreg:$0x1] =	wrdreg $0xFFFFFFFF  }
0xad: {  	[dreg:$0x0] =	wrdreg $0x60  }
0xae: {  	[dreg:$0x2] =	wrdreg s24  }
0xaf: {  	[dreg:$0x3] =	wrdreg s2  }
0xb0: {  	[dreg:$0x4] =	wrdreg $0x9  }
0xb1: {  	_ =	task.clear_ibuf [dreg:s7], $0x5FFFF;
	_ =	strace $0x90000049  }
0xb2: {  	s29 =	simm.s32 $0x9;
	_ =	strace $0x8000004B  }
0xb3: {  	_ =	swait.ge [sflag:s29], $0x1  }
0xb4: {  	[sflag:s29] =	ssyncadd.s32 $0xFFFFFFFF  }
0xb5: {  	_ =	strace $0x9000004B  }
0xb6: {  	_ =	sfence  }
0xb7: {  	s30 =	sld [smem:$0x0];
	_ =	sdelay $0x2  }
0xb8: {  	s31 =	sshll.u32 s1, $0xD;
	s1 =	sshrl.u32 s1, $0x2  }
0xb9: {  	s3 =	sand.u32 $0x4000, s31;
	s1 =	sadd.s32 s1, s30  }
0xba: {  	s0 =	sor.u32 s3, s0;
	s1 =	sshll.u32 s1, $0x11  }
0xbb: {  	s0 =	sor.u32 s1, s0  }
0xbc: {  	s0 =	sadd.s32 $0x8F2B, s0  }
0xbd: {  	[sflag:s0] =	ssyncadd.remote.s32 $0x1  }
0xbe: {  	_ =	sfence.sel $0xFFFF  }
0xbf: {  	[dreg:$0x0] =	wrdreg $0xFFFFFFFF;
	(pc) =	sbr.abs _section_cstart, $3  }
0xc0: {  	[dreg:$0x1] =	wrdreg $0xFFFFFFFF  }
0xc1: {  	_ =	task.clear_ibuf [dreg:s7], $0x2FFFF;
	_ =	strace $0x9FFFFFFF  }
0xc2: {  	(tm) =	ssettm $0x7FFFFFFF  }
0xc3: {  	_ =	shalt  }
tec
execute0_lowered:
.L_overlay_start_1:
0x0: {  	(tag) =	ssettag $0x1  }
0x1: {  	s9 =	rddreg [dreg:$0x0]  }
0x2: {  	s1 =	rddreg [dreg:$0x1];
	s2 =	simm.s32 $0x0;
	s3 =	srdreg.scid  }
0x3: {  	s12 =	simm.s32 $0x2800;
	s13 =	simm.s32 $0x5000;
	s14 =	simm.s32 $0x5080  }
0x4: {  	s15 =	simm.s32 $0x5880;
	s16 =	simm.s32 $0x6080;
	s17 =	simm.s32 $0x7080  }
0x5: {  	s18 =	simm.s32 $0x0;
	[smem:$0x7FF] =	sst s2;
	s7 =	sand.u32 $0x1, s3  }
0x6: {  	s4 =	sadd.s32 $0x12400, s9;
	s3 =	stileid.u32;
	s5 =	sadd.s32 $0x64400, s9  }
0x7: {  	s6 =	sadd.s32 $0xB4400, s9;
	s8 =	ssub.s32 $0x2, s7;
	s11 =	sshll.u32 s3, $0x1  }
0x8: {  	_ =	strace $0x8000004A;
	s10 =	sshrl.u32 s8, $0x1;
	s7 =	sor.u32 s7, s11  }
0x9: {  	s11 =	simm.s32 $0x1;
	s10 =	ssub.s32 s8, s10;
	s7 =	smul.u32 $0x140, s7  }
0xa: {  	v0 =	vlaneseq.u32;
	s8 =	sadd.s32 $0x3A400, s9;
	s9 =	sadd.s32 $0x63400, s9;
	s10 =	smax.u32 s10, $0x1  }
.LBB2_1:
0xb: {  	[tilespmem:s2], [sflag:$0x1] =	stream.linear.gather [hbm4b:s8+s2], $0x2800, $0x38;
	[tilespmem:$0x7880] =	vst v63  }
0xc: {  	_ =	swait.ge [sflag:s11], $0x2800  }
0xd: {  	[sflag:s11] =	ssyncset.done $0x0  }
0xe: {  	[sflag:s11] =	ssyncadd.s32 $0xFFFFD800  }
0xf: {  	[tilespmem:s12], [sflag:$0x1] =	stream.linear.gather [hbm4b:s9+s2], $0x2800, $0x38;
	[tilespmem:$0x7880] =	vst v63  }
0x10: {  	_ =	swait.ge [sflag:s11], $0x2800  }
0x11: {  	[sflag:s11] =	ssyncset.done $0x0  }
0x12: {  	[sflag:s11] =	ssyncadd.s32 $0xFFFFD800  }
0x13: {  	[tilespmem:s13], [sflag:$0x1] =	stream.linear.gather [hbm4b:s1+s2], $0x80, $0x38;
	[tilespmem:$0x7880] =	vst v63  }
0x14: {  	_ =	swait.ge [sflag:s11], $0x80  }
0x15: {  	[sflag:s11] =	ssyncset.done $0x0  }
0x16: {  	s19 =	smov.u32 s7;
	s20 =	simm.s32 $0x0;
	[sflag:s11] =	ssyncadd.s32 $0xFFFFFF80  }
.LBB2_2:
0x17: {  	s21 =	sshll.u32 s19, $0x4  }
0x18: {  	s22 =	simm.s32 $0x0;
	s23 =	sadd.s32 s4, s21  }
0x19: {  	[tilespmem:s14], [sflag:$0x1] =	stream.linear.gather [hbm4b:s23+s22], $0x800, $0x38;
	[tilespmem:$0x7880] =	vst v63  }
0x1a: {  	s25 =	sand.u32 $0x1FFFFFF0, s21;
	_ =	swait.ge [sflag:s11], $0x800  }
0x1b: {  	s23 =	sadd.s32 s4, s25;
	[sflag:s11] =	ssyncset.done $0x0  }
0x1c: {  	s23 =	sadd.s32 $0x29000, s23;
	[sflag:s11] =	ssyncadd.s32 $0xFFFFF800  }
0x1d: {  	[tilespmem:s15], [sflag:$0x1] =	stream.linear.gather [hbm4b:s23+s22], $0x800, $0x38;
	[tilespmem:$0x7880] =	vst v63  }
0x1e: {  	_ =	swait.ge [sflag:s11], $0x800  }
0x1f: {  	s26 =	sshll.u32 s19, $0x5;
	[sflag:s11] =	ssyncset.done $0x0  }
0x20: {  	v1 =	vor.u32 s19, v0;
	s23 =	sadd.s32 s5, s26;
	[sflag:s11] =	ssyncadd.s32 $0xFFFFF800  }
0x21: {  	[tilespmem:s16], [sflag:$0x1] =	stream.linear.gather [hbm4b:s23+s22], $0x1000, $0x38;
	[tilespmem:$0x7880] =	vst v63  }
0x22: {  	_ =	swait.ge [sflag:s11], $0x1000  }
0x23: {  	[sflag:s11] =	ssyncset.done $0x0  }
0x24: {  	[sflag:s11] =	ssyncadd.s32 $0xFFFFF000  }
0x25: {  	v2 =	vld.idx.msk [tilespmem:v1+s22+$0x0], $0xffff  }
0x26: {  	v1 =	vld.idx.msk [tilespmem:v1+s12+$0x0], $0xffff;
	_ =	sdelay $0x4  }
0x27: {  	v1 =	vadd.f32 v1, v2;
	_ =	sdelay $0x1  }
0x28: {  	v1 =	vadd.f32 $1.000000020e-16, v1;
	_ =	sdelay $0x1  }
0x29: {  	(erf) = vrcp.f32 v1;
	_ =	sdelay $0x7  }
0x2a: {  	v2 =	vmov s22  }
0x2b: {  	vm0 =	veq.s32 v2, v0;
	v1 =	vpop (erf)  }
0x2c: {  	v2 =	vnsel vm0, $0x0, v1  }
0x2d: {  	(xrf2) =	vadd.scan.msk.f32 $0xffff, v2;
	_ =	sdelay $0x3  }
0x2e: {  	s30 =	simm.s32 $0x50C0  }
0x2f: {  	s24 =	simm.s32 $0x58C0;
	v3 =	vld [tilespmem:s30+$0xFFFFFFC0]  }
0x30: {  	v4 =	vld [tilespmem:s24+$0xFFFFFFC0];
	_ =	sdelay $0x1  }
0x31: {  	s25 =	sand.u32 $0xFFFFF800, s22;
	s26 =	sand.u32 $0x380, s22  }
0x32: {  	s25 =	sor.u32 s26, s25  }
0x33: {  	v5 =	vld [tilespmem:s25+$0x6080];
	v2, _, _ =	vpop (xrf2)  }
0x34: {  	v3 =	vadd.f32 v4, v3;
	v2 =	vbroadcast v2, $0xF  }
0x35: {  	v4 =	vld [tilespmem:$0x5000]  }
0x36: {  	v3 =	vmul.f32 v3, v2;
	_ =	sdelay $0x1  }
0x37: {  	v3 =	vadd.f32 v3, v5;
	_ =	sdelay $0x1  }
0x38: {  	v3 =	vadd.f32 v3, v4  }
0x39: {  	s26 =	simm.s32 $0x70C0  }
0x3a: {  	[tilespmem:s26+$0xFFFFFFC0] =	vst v3  }
0x3b: {  	v3 =	vld [tilespmem:s30+$0xFFFFFFD0]  }
0x3c: {  	v4 =	vld [tilespmem:s24+$0xFFFFFFD0];
	_ =	sdelay $0x3  }
0x3d: {  	v5 =	vld [tilespmem:s25+$0x6090]  }
0x3e: {  	v3 =	vadd.f32 v4, v3  }
0x3f: {  	v4 =	vld [tilespmem:$0x5010]  }
0x40: {  	v3 =	vmul.f32 v3, v2;
	_ =	sdelay $0x1  }
0x41: {  	v3 =	vadd.f32 v3, v5;
	_ =	sdelay $0x1  }
0x42: {  	v3 =	vadd.f32 v3, v4;
	_ =	sdelay $0x1  }
0x43: {  	[tilespmem:s26+$0xFFFFFFD0] =	vst v3  }
0x44: {  	v3 =	vld [tilespmem:s30+$0xFFFFFFE0]  }
0x45: {  	v4 =	vld [tilespmem:s24+$0xFFFFFFE0];
	_ =	sdelay $0x3  }
0x46: {  	v5 =	vld [tilespmem:s25+$0x60A0]  }
0x47: {  	v3 =	vadd.f32 v4, v3  }
0x48: {  	v4 =	vld [tilespmem:$0x5020]  }
0x49: {  	v3 =	vmul.f32 v3, v2;
	_ =	sdelay $0x1  }
0x4a: {  	v3 =	vadd.f32 v3, v5;
	_ =	sdelay $0x1  }
0x4b: {  	v3 =	vadd.f32 v3, v4;
	_ =	sdelay $0x1  }
0x4c: {  	[tilespmem:s26+$0xFFFFFFE0] =	vst v3  }
0x4d: {  	v3 =	vld [tilespmem:s30+$0xFFFFFFF0]  }
0x4e: {  	v4 =	vld [tilespmem:s24+$0xFFFFFFF0];
	_ =	sdelay $0x3  }
0x4f: {  	v5 =	vld [tilespmem:s25+$0x60B0]  }
0x50: {  	v3 =	vadd.f32 v4, v3  }
0x51: {  	v4 =	vld [tilespmem:$0x5030]  }
0x52: {  	v3 =	vmul.f32 v3, v2;
	_ =	sdelay $0x1  }
0x53: {  	v3 =	vadd.f32 v3, v5;
	_ =	sdelay $0x1  }
0x54: {  	v3 =	vadd.f32 v3, v4;
	_ =	sdelay $0x1  }
0x55: {  	[tilespmem:s26+$0xFFFFFFF0] =	vst v3  }
0x56: {  	v3 =	vld [tilespmem:s30+$0x0]  }
0x57: {  	v4 =	vld [tilespmem:s24+$0x0];
	_ =	sdelay $0x3  }
0x58: {  	v5 =	vld [tilespmem:s25+$0x60C0]  }
0x59: {  	v3 =	vadd.f32 v4, v3  }
0x5a: {  	v4 =	vld [tilespmem:$0x5040]  }
0x5b: {  	v3 =	vmul.f32 v3, v2;
	_ =	sdelay $0x1  }
0x5c: {  	v3 =	vadd.f32 v3, v5;
	_ =	sdelay $0x1  }
0x5d: {  	v3 =	vadd.f32 v3, v4;
	_ =	sdelay $0x1  }
0x5e: {  	[tilespmem:s26+$0x0] =	vst v3  }
0x5f: {  	v3 =	vld [tilespmem:s30+$0x10]  }
0x60: {  	v4 =	vld [tilespmem:s24+$0x10];
	_ =	sdelay $0x3  }
0x61: {  	v5 =	vld [tilespmem:s25+$0x60D0]  }
0x62: {  	v3 =	vadd.f32 v4, v3  }
0x63: {  	v4 =	vld [tilespmem:$0x5050]  }
0x64: {  	v3 =	vmul.f32 v3, v2;
	_ =	sdelay $0x1  }
0x65: {  	v3 =	vadd.f32 v3, v5;
	_ =	sdelay $0x1  }
0x66: {  	v3 =	vadd.f32 v3, v4;
	_ =	sdelay $0x1  }
0x67: {  	[tilespmem:s26+$0x10] =	vst v3  }
0x68: {  	v3 =	vld [tilespmem:s30+$0x20]  }
0x69: {  	v4 =	vld [tilespmem:s24+$0x20];
	_ =	sdelay $0x3  }
0x6a: {  	v5 =	vld [tilespmem:s25+$0x60E0]  }
0x6b: {  	v3 =	vadd.f32 v4, v3  }
0x6c: {  	v4 =	vld [tilespmem:$0x5060]  }
0x6d: {  	v3 =	vmul.f32 v3, v2;
	_ =	sdelay $0x1  }
0x6e: {  	v3 =	vadd.f32 v3, v5;
	_ =	sdelay $0x1  }
0x6f: {  	v3 =	vadd.f32 v3, v4;
	_ =	sdelay $0x1  }
0x70: {  	[tilespmem:s26+$0x20] =	vst v3  }
0x71: {  	v5 =	vld [tilespmem:s30+$0x30]  }
0x72: {  	v6 =	vld [tilespmem:s24+$0x30];
	_ =	sdelay $0x1  }
0x73: {  	s29 =	simm.s32 $0x1;
	s31 =	simm.s32 $0x2;
	s28 =	simm.s32 $0x0;
	v3 =	vld [tilespmem:s25+$0x60F0]  }
0x74: {  	s23 =	simm.s32 $0x7140;
	s24 =	simm.s32 $0x5940;
	v4 =	vld [tilespmem:$0x5070];
	s25 =	simm.s32 $0x5140  }
.LBB2_3:
0x75: {  	s22 =	sadd.s32 $0x80, s22  }
0x76: {  	v7 =	vmov s29;
	v5 =	vadd.f32 v6, v5;
	s28 =	sadd.s32 $0x100, s28;
	s29 =	smov.u32 s31;
	s30 =	sadd.s32 $0x1, s31  }
0x77: {  	p0 =	sne.s32 s31, $0xF;
	vm0 =	veq.s32 v7, v0  }
0x78: {  	v6 =	vnsel vm0, $0x0, v1;
	v2 =	vmul.f32 v5, v2  }
0x79: {  	(xrf2) =	vadd.scan.msk.f32 $0xffff, v6  }
0x7a: {  	v2 =	vadd.f32 v2, v3;
	_ =	sdelay $0x1  }
0x7b: {  	v2 =	vadd.f32 v2, v4;
	_ =	sdelay $0x1  }
0x7c: {  	[tilespmem:s26+$0x30] =	vst v2;
	s26 =	smov.u32 s23  }
0x7d: {  	v3 =	vld [tilespmem:s25+$0xFFFFFFC0]  }
0x7e: {  	v4 =	vld [tilespmem:s24+$0xFFFFFFC0];
	_ =	sdelay $0x1  }
0x7f: {  	s31 =	sand.u32 $0xFFFFF800, s28;
	s0 =	sand.u32 $0x380, s22  }
0x80: {  	s31 =	sor.u32 s0, s31;
	v2, _, _ =	vpop (xrf2)  }
0x81: {  	v2 =	vbroadcast v2, $0xF;
	v5 =	vld [tilespmem:s31+$0x6080]  }
0x82: {  	v3 =	vadd.f32 v4, v3  }
0x83: {  	v4 =	vld [tilespmem:$0x5000]  }
0x84: {  	v3 =	vmul.f32 v3, v2;
	_ =	sdelay $0x1  }
0x85: {  	v3 =	vadd.f32 v3, v5;
	_ =	sdelay $0x1  }
0x86: {  	v3 =	vadd.f32 v3, v4;
	_ =	sdelay $0x1  }
0x87: {  	[tilespmem:s23+$0xFFFFFFC0] =	vst v3  }
0x88: {  	v3 =	vld [tilespmem:s25+$0xFFFFFFD0]  }
0x89: {  	v4 =	vld [tilespmem:s24+$0xFFFFFFD0];
	_ =	sdelay $0x3  }
0x8a: {  	v5 =	vld [tilespmem:s31+$0x6090]  }
0x8b: {  	v3 =	vadd.f32 v4, v3  }
0x8c: {  	v4 =	vld [tilespmem:$0x5010]  }
0x8d: {  	v3 =	vmul.f32 v3, v2;
	_ =	sdelay $0x1  }
0x8e: {  	v3 =	vadd.f32 v3, v5;
	_ =	sdelay $0x1  }
0x8f: {  	v3 =	vadd.f32 v3, v4;
	_ =	sdelay $0x1  }
0x90: {  	[tilespmem:s23+$0xFFFFFFD0] =	vst v3  }
0x91: {  	v3 =	vld [tilespmem:s25+$0xFFFFFFE0]  }
0x92: {  	v4 =	vld [tilespmem:s24+$0xFFFFFFE0];
	_ =	sdelay $0x3  }
0x93: {  	v5 =	vld [tilespmem:s31+$0x60A0]  }
0x94: {  	v3 =	vadd.f32 v4, v3  }
0x95: {  	v4 =	vld [tilespmem:$0x5020]  }
0x96: {  	v3 =	vmul.f32 v3, v2;
	_ =	sdelay $0x1  }
0x97: {  	v3 =	vadd.f32 v3, v5;
	_ =	sdelay $0x1  }
0x98: {  	v3 =	vadd.f32 v3, v4;
	_ =	sdelay $0x1  }
0x99: {  	[tilespmem:s23+$0xFFFFFFE0] =	vst v3  }
0x9a: {  	v3 =	vld [tilespmem:s25+$0xFFFFFFF0]  }
0x9b: {  	v4 =	vld [tilespmem:s24+$0xFFFFFFF0];
	_ =	sdelay $0x3  }
0x9c: {  	v5 =	vld [tilespmem:s31+$0x60B0]  }
0x9d: {  	v3 =	vadd.f32 v4, v3  }
0x9e: {  	v4 =	vld [tilespmem:$0x5030]  }
0x9f: {  	v3 =	vmul.f32 v3, v2;
	_ =	sdelay $0x1  }
0xa0: {  	v3 =	vadd.f32 v3, v5;
	_ =	sdelay $0x1  }
0xa1: {  	v3 =	vadd.f32 v3, v4;
	_ =	sdelay $0x1  }
0xa2: {  	[tilespmem:s23+$0xFFFFFFF0] =	vst v3  }
0xa3: {  	v3 =	vld [tilespmem:s25+$0x0]  }
0xa4: {  	v4 =	vld [tilespmem:s24+$0x0];
	_ =	sdelay $0x3  }
0xa5: {  	v5 =	vld [tilespmem:s31+$0x60C0]  }
0xa6: {  	v3 =	vadd.f32 v4, v3  }
0xa7: {  	v4 =	vld [tilespmem:$0x5040]  }
0xa8: {  	v3 =	vmul.f32 v3, v2;
	_ =	sdelay $0x1  }
0xa9: {  	v3 =	vadd.f32 v3, v5;
	_ =	sdelay $0x1  }
0xaa: {  	v3 =	vadd.f32 v3, v4;
	_ =	sdelay $0x1  }
0xab: {  	[tilespmem:s23+$0x0] =	vst v3  }
0xac: {  	v3 =	vld [tilespmem:s25+$0x10]  }
0xad: {  	v4 =	vld [tilespmem:s24+$0x10]  }
0xae: {  	v5 =	vld [tilespmem:s31+$0x60D0]  }
0xaf: {  	v6 =	vld [tilespmem:$0x5050];
	_ =	sdelay $0x2  }
0xb0: {  	v3 =	vadd.f32 v4, v3;
	_ =	sdelay $0x1  }
0xb1: {  	v3 =	vmul.f32 v3, v2;
	_ =	sdelay $0x1  }
0xb2: {  	v3 =	vadd.f32 v3, v5;
	_ =	sdelay $0x1  }
0xb3: {  	v3 =	vadd.f32 v3, v6;
	_ =	sdelay $0x1  }
0xb4: {  	[tilespmem:s23+$0x10] =	vst v3  }
0xb5: {  	v3 =	vld [tilespmem:s25+$0x20]  }
0xb6: {  	v4 =	vld [tilespmem:s24+$0x20]  }
0xb7: {  	v5 =	vld [tilespmem:s31+$0x60E0]  }
0xb8: {  	v6 =	vld [tilespmem:$0x5060];
	_ =	sdelay $0x2  }
0xb9: {  	v3 =	vadd.f32 v4, v3;
	_ =	sdelay $0x1  }
0xba: {  	v3 =	vmul.f32 v3, v2;
	_ =	sdelay $0x1  }
0xbb: {  	v3 =	vadd.f32 v3, v5;
	_ =	sdelay $0x1  }
0xbc: {  	v3 =	vadd.f32 v3, v6;
	_ =	sdelay $0x1  }
0xbd: {  	[tilespmem:s23+$0x20] =	vst v3  }
0xbe: {  	v5 =	vld [tilespmem:s25+$0x30]  }
.Ltmp0:
0xbf: {  	v6 =	vld [tilespmem:s24+$0x30];
	(pc) =	sbr.rel @p0 .LBB2_3-.Ltmp0, $4  }
0xc0: {  	v3 =	vld [tilespmem:s31+$0x60F0]  }
0xc1: {  	v4 =	vld [tilespmem:$0x5070]  }
0xc2: {  	s23 =	sadd.s32 $0x80, s23  }
0xc3: {  	s25 =	sadd.s32 $0x80, s25;
	s24 =	sadd.s32 $0x80, s24;
	s31 =	smov.u32 s30  }
0xc4: {  	v5 =	vadd.f32 v6, v5  }
0xc5: {  	v55 =	vmov s29  }
0xc6: {  	vm0 =	veq.s32 v55, v0;
	v2 =	vmul.f32 v5, v2  }
0xc7: {  	v1 =	vnsel vm0, $0x0, v1  }
0xc8: {  	(xrf2) =	vadd.scan.msk.f32 $0xffff, v1;
	v1 =	vadd.f32 v2, v3;
	_ =	sdelay $0x1  }
0xc9: {  	v1 =	vadd.f32 v1, v4;
	_ =	sdelay $0x1  }
0xca: {  	[tilespmem:s26+$0x30] =	vst v1  }
0xcb: {  	v1 =	vld [tilespmem:s25+$0xFFFFFFC0]  }
0xcc: {  	v2 =	vld [tilespmem:s24+$0xFFFFFFC0]  }
0xcd: {  	s0 =	sadd.s32 $0x80, s22;
	s30 =	sadd.s32 $0x100, s28  }
0xce: {  	s22 =	sand.u32 $0xFFFFF800, s30;
	s0 =	sand.u32 $0x380, s0  }
0xcf: {  	s22 =	sor.u32 s0, s22  }
0xd0: {  	v56 =	vld [tilespmem:s22+$0x6080];
	v3, _, _ =	vpop (xrf2)  }
0xd1: {  	v3 =	vbroadcast v3, $0xF;
	v1 =	vadd.f32 v2, v1  }
0xd2: {  	v2 =	vld [tilespmem:$0x5000]  }
0xd3: {  	v1 =	vmul.f32 v1, v3;
	_ =	sdelay $0x1  }
0xd4: {  	v1 =	vadd.f32 v1, v56;
	_ =	sdelay $0x1  }
0xd5: {  	v1 =	vadd.f32 v1, v2;
	_ =	sdelay $0x1  }
0xd6: {  	[tilespmem:s23+$0xFFFFFFC0] =	vst v1  }
0xd7: {  	v1 =	vld [tilespmem:s25+$0xFFFFFFD0]  }
0xd8: {  	v2 =	vld [tilespmem:s24+$0xFFFFFFD0];
	_ =	sdelay $0x3  }
0xd9: {  	v57 =	vld [tilespmem:s22+$0x6090]  }
0xda: {  	v1 =	vadd.f32 v2, v1  }
0xdb: {  	v2 =	vld [tilespmem:$0x5010]  }
0xdc: {  	v1 =	vmul.f32 v1, v3;
	_ =	sdelay $0x1  }
0xdd: {  	v1 =	vadd.f32 v1, v57;
	_ =	sdelay $0x1  }
0xde: {  	v1 =	vadd.f32 v1, v2;
	_ =	sdelay $0x1  }
0xdf: {  	[tilespmem:s23+$0xFFFFFFD0] =	vst v1  }
0xe0: {  	v1 =	vld [tilespmem:s25+$0xFFFFFFE0]  }
0xe1: {  	v2 =	vld [tilespmem:s24+$0xFFFFFFE0];
	_ =	sdelay $0x3  }
0xe2: {  	v58 =	vld [tilespmem:s22+$0x60A0]  }
0xe3: {  	v1 =	vadd.f32 v2, v1  }
0xe4: {  	v2 =	vld [tilespmem:$0x5020]  }
0xe5: {  	v1 =	vmul.f32 v1, v3;
	_ =	sdelay $0x1  }
0xe6: {  	v1 =	vadd.f32 v1, v58;
	_ =	sdelay $0x1  }
0xe7: {  	v1 =	vadd.f32 v1, v2;
	_ =	sdelay $0x1  }
0xe8: {  	[tilespmem:s23+$0xFFFFFFE0] =	vst v1  }
0xe9: {  	v1 =	vld [tilespmem:s25+$0xFFFFFFF0]  }
0xea: {  	v2 =	vld [tilespmem:s24+$0xFFFFFFF0];
	_ =	sdelay $0x3  }
0xeb: {  	v59 =	vld [tilespmem:s22+$0x60B0]  }
0xec: {  	v1 =	vadd.f32 v2, v1  }
0xed: {  	v2 =	vld [tilespmem:$0x5030]  }
0xee: {  	v1 =	vmul.f32 v1, v3;
	_ =	sdelay $0x1  }
0xef: {  	v1 =	vadd.f32 v1, v59;
	_ =	sdelay $0x1  }
0xf0: {  	v1 =	vadd.f32 v1, v2;
	_ =	sdelay $0x1  }
0xf1: {  	[tilespmem:s23+$0xFFFFFFF0] =	vst v1  }
0xf2: {  	v1 =	vld [tilespmem:s25+$0x0]  }
0xf3: {  	v2 =	vld [tilespmem:s24+$0x0];
	_ =	sdelay $0x3  }
0xf4: {  	v60 =	vld [tilespmem:s22+$0x60C0]  }
0xf5: {  	v1 =	vadd.f32 v2, v1  }
0xf6: {  	v2 =	vld [tilespmem:$0x5040]  }
0xf7: {  	v1 =	vmul.f32 v1, v3;
	_ =	sdelay $0x1  }
0xf8: {  	v1 =	vadd.f32 v1, v60;
	_ =	sdelay $0x1  }
0xf9: {  	v1 =	vadd.f32 v1, v2;
	_ =	sdelay $0x1  }
0xfa: {  	[tilespmem:s23+$0x0] =	vst v1  }
0xfb: {  	v1 =	vld [tilespmem:s25+$0x10]  }
0xfc: {  	v2 =	vld [tilespmem:s24+$0x10];
	_ =	sdelay $0x3  }
0xfd: {  	v61 =	vld [tilespmem:s22+$0x60D0]  }
0xfe: {  	v1 =	vadd.f32 v2, v1  }
0xff: {  	v2 =	vld [tilespmem:$0x5050]  }
0x100: {  	v1 =	vmul.f32 v1, v3;
	_ =	sdelay $0x1  }
0x101: {  	v1 =	vadd.f32 v1, v61;
	_ =	sdelay $0x1  }
0x102: {  	v1 =	vadd.f32 v1, v2;
	_ =	sdelay $0x1  }
0x103: {  	[tilespmem:s23+$0x10] =	vst v1  }
0x104: {  	v1 =	vld [tilespmem:s25+$0x20]  }
0x105: {  	v2 =	vld [tilespmem:s24+$0x20];
	_ =	sdelay $0x3  }
0x106: {  	v62 =	vld [tilespmem:s22+$0x60E0]  }
0x107: {  	v1 =	vadd.f32 v2, v1  }
0x108: {  	v2 =	vld [tilespmem:$0x5060]  }
0x109: {  	v1 =	vmul.f32 v1, v3;
	_ =	sdelay $0x1  }
0x10a: {  	v1 =	vadd.f32 v1, v62;
	_ =	sdelay $0x1  }
0x10b: {  	v1 =	vadd.f32 v1, v2;
	_ =	sdelay $0x1  }
0x10c: {  	[tilespmem:s23+$0x20] =	vst v1  }
0x10d: {  	v1 =	vld [tilespmem:s25+$0x30]  }
0x10e: {  	v2 =	vld [tilespmem:s24+$0x30];
	_ =	sdelay $0x3  }
0x10f: {  	v63 =	vld [tilespmem:s22+$0x60F0]  }
0x110: {  	v1 =	vadd.f32 v2, v1  }
0x111: {  	v2 =	vld [tilespmem:$0x5070]  }
0x112: {  	v1 =	vmul.f32 v1, v3;
	_ =	sdelay $0x1  }
0x113: {  	v1 =	vadd.f32 v1, v63;
	_ =	sdelay $0x1  }
0x114: {  	s20 =	sadd.s32 $0x1, s20;
	v1 =	vadd.f32 v1, v2  }
0x115: {  	p0 =	sne.s32 s20, $0x14  }
.Ltmp1:
0x116: {  	s31 =	sadd.s32 s6, s21;
	[tilespmem:s23+$0x30] =	vst v1;
	(pc) =	sbr.rel @p0 .LBB2_2-.Ltmp1, $4  }
0x117: {  	[hbm4b:s31+s2] =	stream.linear.scatter [tilespmem:s17], [sflag:$0x1], $0x800, $0x38;
	[tilespmem:$0x7880] =	vst v63  }
0x118: {  	_ =	swait.ge [sflag:s11], $0x800  }
0x119: {  	[sflag:s11] =	ssyncset.done $0x0  }
0x11a: {  	s19 =	sadd.s32 $0x10, s19;
	[sflag:s11] =	ssyncadd.s32 $0xFFFFF800  }
0x11b: {  	s18 =	sadd.s32 $0x1, s18  }
0x11c: {  	p0 =	sne.s32 s18, s10  }
.Ltmp2:
0x11d: {  	_ = 	snop;
	(pc) =	sbr.rel @p0 .LBB2_1-.Ltmp2, $1  }
0x11e: {  	_ =	sdelay $0x3  }
0x11f: {  	_ =	sfence.sel $0x180000  }
0x120: {  	[bflag:$0x0] =	sbarrier.arrive $0xFFFF  }
0x121: {  	_ =	strace $0x9000004A  }
0x122: {  	[bflag:$0x2] =	sbarrier.arrive $0xFFFF  }
0x123: {  	p0 =	sne.s32 s3, $0x0;
	s0 =	rddreg [dreg:$0x2]  }
0x124: {  	s0 =	sadd.s32 @!p0 $0x100000, s0  }
0x125: {  	[sflag:s0] =	ssyncadd.tile.s32 @!p0 $0x1;
	_ =	shalt  }
.Lfunc_end2:
_tile_overlayer_lowered:
.L_overlay_start_2:
0x126: {  	(tag) =	ssettag $0x2  }
0x127: {  	s0 =	rddreg [dreg:$0x0];
	s2 =	stileid.u32  }
0x128: {  	s1 =	rddreg [dreg:$0x1];
	p0 =	sne.s32 s2, $0x0  }
0x129: {  	s3 =	rddreg [dreg:$0x2];
	[bflag:$0x3] =	sbarrier.arrive $0xFFFF;
	s2 =	simm.s32 @!p0 $0x1C01  }
0x12a: {  	[timem:s3], [sflag:s2] =	dma.local @!p0 [hbm:s0], s1  }
0x12b: {  	s0 =	simm.s32 @!p0 $0x1  }
0x12c: {  	_ =	swait.ge @!p0 [sflag:s0], s1  }
0x12d: {  	s1 =	ssub.s32 @!p0 $0x0, s1;
	[sflag:s0] =	ssyncset.done @!p0 $0x0  }
0x12e: {  	[sflag:s0] =	ssyncadd.s32 @!p0 s1  }
0x12f: {  	[bflag:$0x3] =	sbarrier.arrive $0xFFFF  }
0x130: {  	_ =	shalt  }

</sc_bundles>
